<compile_context>
chip_gen: v7x
topology: tpu7x:2x2x1
jax: 0.10.2.dev20260603
libtpu: 0.0.44.dev20260713+nightly
codegen_flags: <defaults>
</compile_context>

<pallas_src>
import functools

import jax
import jax.numpy as jnp
from jax import lax
from jax.experimental import pallas as pl
from jax.experimental.pallas import tpu as pltpu
from jax.experimental.pallas import tpu_sc as plsc

N_NODES = 10000
N_EDGES = 320000
D = 128

NC = 2
NS = 16
NW = NC * NS
B = 128
NCHUNK = N_EDGES // B
CPT = 78
TB = 16
TAIL0 = NW * CPT * B
NP = 10240
RPT = NP // NS
L = 16


def _sc_aggregate(x_hbm, src_hbm, dst_hbm,
                  acc_out, cnt_out,
                  srcA, srcB, dstA, dstB, rowsA, rowsB,
                  srcT, dstT, rowsT, tab_sh,
                  semGA, semGA2, semGB, semGB2, semI, semT):
    cid = lax.axis_index("c")
    sid = lax.axis_index("s")
    wid = sid * NC + cid
    r0 = sid * RPT
    lo = wid * CPT

    def _set_rows(ref, val):
        def _row(i, carry):
            def _col(j, carry2):
                ref[i, pl.ds(j * L, L)] = jnp.full((L,), val, jnp.float32)
                return carry2
            lax.fori_loop(0, D // L, _col, 0)
            return carry
        lax.fori_loop(0, B, _row, 0)

    def _zero_table(zbuf):
        for k in range(RPT // B):
            pltpu.sync_copy(zbuf, tab_sh.at[pl.ds(r0 + k * B, B)])

    def _dump_table(out_ref, sbuf0, sbuf1, sem0, sem1):
        stg = [(sbuf0, sem0), (sbuf1, sem1)]
        for k in range(RPT // B):
            sb, sm = stg[k % 2]
            if k >= 2:
                pltpu.make_async_copy(
                    sb, out_ref.at[cid, pl.ds(r0 + (k - 2) * B, B)], sm).wait()
            pltpu.sync_copy(tab_sh.at[pl.ds(r0 + k * B, B)], sb)
            pltpu.async_copy(sb, out_ref.at[cid, pl.ds(r0 + k * B, B)], sm)
        for k in range(RPT // B - 2, RPT // B):
            sb, sm = stg[k % 2]
            pltpu.make_async_copy(
                sb, out_ref.at[cid, pl.ds(r0 + k * B, B)], sm).wait()

    _set_rows(rowsA, 0.0)
    _zero_table(rowsA)
    plsc.subcore_barrier()

    bufs = [(srcA, dstA, rowsA, semGA, semGA2), (srcB, dstB, rowsB, semGB, semGB2)]
    H = B // 2

    def _issue_gather2(s_ref, r_ref, g1, g2):
        pltpu.async_copy(x_hbm.at[s_ref.at[pl.ds(0, H)]], r_ref.at[pl.ds(0, H)], g1)
        pltpu.async_copy(x_hbm.at[s_ref.at[pl.ds(H, H)]], r_ref.at[pl.ds(H, H)], g2)

    def _wait_gather2(s_ref, r_ref, g1, g2):
        pltpu.make_async_copy(x_hbm.at[s_ref.at[pl.ds(0, H)]], r_ref.at[pl.ds(0, H)], g1).wait()
        pltpu.make_async_copy(x_hbm.at[s_ref.at[pl.ds(H, H)]], r_ref.at[pl.ds(H, H)], g2).wait()

    pltpu.sync_copy(src_hbm.at[pl.ds(lo * B, B)], srcA)
    pltpu.sync_copy(dst_hbm.at[pl.ds(lo * B, B)], dstA)
    _issue_gather2(srcA, rowsA, semGA, semGA2)
    pltpu.async_copy(src_hbm.at[pl.ds((lo + 1) * B, B)], srcB, semI)
    pltpu.async_copy(dst_hbm.at[pl.ds((lo + 1) * B, B)], dstB, semI)

    def _chunk_step(p, k, issue_gather, prefetch_idx):
        sp, dp, rp, gp, gp2 = bufs[p]
        sq, dq, rq, gq, gq2 = bufs[1 - p]
        if issue_gather:
            pltpu.make_async_copy(
                src_hbm.at[pl.ds((lo + k + 1) * B, B)], sq, semI).wait()
            pltpu.make_async_copy(
                dst_hbm.at[pl.ds((lo + k + 1) * B, B)], dq, semI).wait()
            _issue_gather2(sq, rq, gq, gq2)
        _wait_gather2(sp, rp, gp, gp2)
        pltpu.sync_copy(rp, tab_sh.at[dp], add=True)
        if prefetch_idx:
            pltpu.async_copy(src_hbm.at[pl.ds((lo + k + 2) * B, B)], sp, semI)
            pltpu.async_copy(dst_hbm.at[pl.ds((lo + k + 2) * B, B)], dp, semI)

    def _pair(t, carry):
        k = t * 2
        _chunk_step(0, k, True, True)
        _chunk_step(1, k + 1, True, True)
        return carry

    lax.fori_loop(0, CPT // 2 - 1, _pair, 0)
    tb = TAIL0 + wid * TB
    pltpu.async_copy(src_hbm.at[pl.ds(tb, TB)], srcT, semT)
    pltpu.async_copy(dst_hbm.at[pl.ds(tb, TB)], dstT, semT)
    _chunk_step(0, CPT - 2, True, False)
    _chunk_step(1, CPT - 1, False, False)

    pltpu.make_async_copy(src_hbm.at[pl.ds(tb, TB)], srcT, semT).wait()
    pltpu.make_async_copy(dst_hbm.at[pl.ds(tb, TB)], dstT, semT).wait()
    pltpu.async_copy(x_hbm.at[srcT], rowsT, semGA).wait()
    pltpu.sync_copy(rowsT, tab_sh.at[dstT], add=True)

    pltpu.async_copy(dst_hbm.at[pl.ds(lo * B, B)], dstA, semI)
    pltpu.async_copy(dst_hbm.at[pl.ds((lo + 1) * B, B)], dstB, semI)

    plsc.subcore_barrier()
    _dump_table(acc_out, rowsA, rowsB, semGA, semGB)

    _set_rows(rowsB, 1.0)
    plsc.subcore_barrier()

    pltpu.make_async_copy(dst_hbm.at[pl.ds(lo * B, B)], dstA, semI).wait()

    def _cnt_step(p, k, wait_idx, prefetch_idx):
        dp = bufs[p][1]
        dq = bufs[1 - p][1]
        if wait_idx:
            pltpu.make_async_copy(
                dst_hbm.at[pl.ds((lo + k + 1) * B, B)], dq, semI).wait()
        pltpu.sync_copy(rowsB, tab_sh.at[dp], add=True)
        if prefetch_idx:
            pltpu.async_copy(dst_hbm.at[pl.ds((lo + k + 2) * B, B)], dp, semI)

    def _cnt_pair(t, carry):
        k = t * 2
        _cnt_step(0, k, True, True)
        _cnt_step(1, k + 1, True, True)
        return carry

    lax.fori_loop(0, CPT // 2 - 1, _cnt_pair, 0)
    _cnt_step(0, CPT - 2, True, False)
    _cnt_step(1, CPT - 1, False, False)

    pltpu.sync_copy(dst_hbm.at[pl.ds(tb, TB)], dstT)
    ones_t = rowsT
    def _fill_t(i, carry):
        def _col(j, carry2):
            ones_t[i, pl.ds(j * L, L)] = jnp.full((L,), 1.0, jnp.float32)
            return carry2
        lax.fori_loop(0, D // L, _col, 0)
        return carry
    lax.fori_loop(0, TB, _fill_t, 0)
    pltpu.sync_copy(ones_t, tab_sh.at[dstT], add=True)

    plsc.subcore_barrier()
    _dump_table(cnt_out, rowsA, rowsB, semGA, semGB)


@functools.cache
def _sc_call():
    mesh = plsc.VectorSubcoreMesh(core_axis_name="c", subcore_axis_name="s",
                                  num_cores=NC, num_subcores=NS)
    return pl.kernel(
        _sc_aggregate,
        out_type=(
            jax.ShapeDtypeStruct((NC, NP, D), jnp.float32),
            jax.ShapeDtypeStruct((NC, NP, D), jnp.float32),
        ),
        mesh=mesh,
        scratch_types=[
            pltpu.VMEM((B,), jnp.int32),
            pltpu.VMEM((B,), jnp.int32),
            pltpu.VMEM((B,), jnp.int32),
            pltpu.VMEM((B,), jnp.int32),
            pltpu.VMEM((B, D), jnp.float32),
            pltpu.VMEM((B, D), jnp.float32),
            pltpu.VMEM((TB,), jnp.int32),
            pltpu.VMEM((TB,), jnp.int32),
            pltpu.VMEM((TB, D), jnp.float32),
            pltpu.VMEM_SHARED((NP, D), jnp.float32),
            pltpu.SemaphoreType.DMA,
            pltpu.SemaphoreType.DMA,
            pltpu.SemaphoreType.DMA,
            pltpu.SemaphoreType.DMA,
            pltpu.SemaphoreType.DMA,
            pltpu.SemaphoreType.DMA,
        ],
    )


_TC_ROWS = 1000


def _tc_finish(acc_ref, cnt_ref, w_ref, b_ref, out_ref):
    s = acc_ref[0] + acc_ref[1]
    c = (cnt_ref[0, :, 0:1] - acc_ref[0, :, 0:1]) + \
        (cnt_ref[1, :, 0:1] - acc_ref[1, :, 0:1])
    m = s / jnp.maximum(c, 1.0)
    y = lax.dot_general(m, w_ref[...], (((1,), (1,)), ((), ())),
                        preferred_element_type=jnp.float32)
    out_ref[...] = jnp.where(c > 0.0, y + b_ref[...], 0.0)


def kernel(x, edge_index, W, b):
    src = edge_index[0]
    dst = edge_index[1]
    acc, cnt = _sc_call()(x, src, dst)

    out = pl.pallas_call(
        _tc_finish,
        grid=(N_NODES // _TC_ROWS,),
        in_specs=[
            pl.BlockSpec((NC, _TC_ROWS, D), lambda i: (0, i, 0)),
            pl.BlockSpec((NC, _TC_ROWS, D), lambda i: (0, i, 0)),
            pl.BlockSpec((D, D), lambda i: (0, 0)),
            pl.BlockSpec((1, D), lambda i: (0, 0)),
        ],
        out_specs=pl.BlockSpec((_TC_ROWS, D), lambda i: (i, 0)),
        out_shape=jax.ShapeDtypeStruct((N_NODES, D), jnp.float32),
    )(acc, cnt, W, b.reshape(1, D))
    return out

# --- scband reference (transcript-rebuilt; emitter-appended) ---
"""Pipeline reference for scband-sageconv-18141941859016 (READ-ONLY COPY).

The authoritative reference and input builder live on the scoring server;
editing this copy changes nothing except your own understanding.
"""

import jax, jax.numpy as jnp
import numpy as np

N_NODES = 10000
N_EDGES = 320000
D_IN = 128
D_OUT = 128


def setup_inputs(seed: int = 0) -> dict:
    key = jax.random.key(seed)
    k1, k2, k3, k4 = jax.random.split(key, 4)
    x = jax.random.normal(k1, (N_NODES, D_IN), dtype=jnp.float32)
    edge_index = jax.random.randint(k2, (2, N_EDGES), 0, N_NODES, dtype=jnp.int32)
    # Linear layer parameters (torch nn.Linear: out = x @ W.T + b)
    bound = 1.0 / np.sqrt(D_IN)
    W = jax.random.uniform(k3, (D_OUT, D_IN), minval=-bound, maxval=bound, dtype=jnp.float32)
    b = jax.random.uniform(k4, (D_OUT,), minval=-bound, maxval=bound, dtype=jnp.float32)
    return {"x": x, "edge_index": edge_index, "W": W, "b": b}


def reference(x, edge_index, W, b):
    # Linear transform
    out = x @ W.T + b
    src = edge_index[0]
    dst = edge_index[1]
    # Gather source node features (SparseCore gather)
    src_feat = jnp.take(out, src, axis=0)
    # Scatter-mean into destination nodes (SparseCore scatter-add + count)
    summed = jax.ops.segment_sum(src_feat, dst, num_segments=N_NODES)
    counts = jax.ops.segment_sum(jnp.ones((N_EDGES,), dtype=jnp.float32), dst, num_segments=N_NODES)
    out = summed / jnp.clip(counts, 1.0, None)[:, None]
    # normalize=False, so no L2 normalization
    return out

if __name__ == "__main__":
    import jax
    _d = setup_inputs()
    print(jax.jit(kernel)(*tuple(_d.values())))

</pallas_src>

<mosaic_0001>
#map = affine_map<(d0, d1) -> (0, 0)>
#map1 = affine_map<(d0, d1) -> (0)>
#map2 = affine_map<(d0, d1) -> (0, 0, 0)>
module attributes {stable_mosaic.version = 14 : i64} {
  func.func @_sc_aggregate(%arg0: i32, %arg1: i32, %arg2: memref<10000x128xf32, #tpu.memory_space<hbm>>, %arg3: memref<320000xi32, #tpu.memory_space<hbm>>, %arg4: memref<320000xi32, #tpu.memory_space<hbm>>, %arg5: memref<2x10240x128xf32, #tpu.memory_space<hbm>>, %arg6: memref<2x10240x128xf32, #tpu.memory_space<hbm>>, %arg7: memref<128xi32, #tpu.memory_space<vmem>>, %arg8: memref<128xi32, #tpu.memory_space<vmem>>, %arg9: memref<128xi32, #tpu.memory_space<vmem>>, %arg10: memref<128xi32, #tpu.memory_space<vmem>>, %arg11: memref<128x128xf32, #tpu.memory_space<vmem>>, %arg12: memref<128x128xf32, #tpu.memory_space<vmem>>, %arg13: memref<16xi32, #tpu.memory_space<vmem>>, %arg14: memref<16xi32, #tpu.memory_space<vmem>>, %arg15: memref<16x128xf32, #tpu.memory_space<vmem>>, %arg16: memref<10240x128xf32, #tpu.memory_space<vmem_shared>>, %arg17: memref<!tpu.dma_semaphore, #tpu.memory_space<semaphore_mem>>, %arg18: memref<!tpu.dma_semaphore, #tpu.memory_space<semaphore_mem>>, %arg19: memref<!tpu.dma_semaphore, #tpu.memory_space<semaphore_mem>>, %arg20: memref<!tpu.dma_semaphore, #tpu.memory_space<semaphore_mem>>, %arg21: memref<!tpu.dma_semaphore, #tpu.memory_space<semaphore_mem>>, %arg22: memref<!tpu.dma_semaphore, #tpu.memory_space<semaphore_mem>>) attributes {dimension_semantics = [#tpu.dimension_semantics<core_parallel>, #tpu.dimension_semantics<subcore_parallel>], iteration_bounds = array<i64: 2, 16>, scalar_prefetch = 0 : i64, scratch_operands = 16 : i64, tpu.core_type = #tpu.core_type<sc_vector_subcore>, window_params = [{transform_indices = #map}, {transform_indices = #map1}, {transform_indices = #map1}, {transform_indices = #map2}, {transform_indices = #map2}]} {
    %mul3A = arith.constant 2 : i32
    %mul3A_0 = arith.muli %arg1, %mul3A : i32
    %add3A = arith.addi %mul3A_0, %arg0 : i32
    %mul3A_1 = arith.constant 640 : i32
    %mul3A_2 = arith.muli %arg1, %mul3A_1 : i32
    %mul3A_3 = arith.constant 78 : i32
    %mul3A_4 = arith.muli %add3A, %mul3A_3 : i32
    %scan3A = arith.constant 0 : i32
    %scan3A_5 = arith.constant 0 : i32
    %scan3A_6 = arith.constant 128 : i32
    %scan3A_7 = arith.addi %scan3A_5, %scan3A_6 : i32
    %scan3A_8 = arith.constant 1 : i32
    scf.for %scan3A_361 = %scan3A_5 to %scan3A_7 step %scan3A_8  : i32 {
      %scan3A_362 = arith.constant 0 : i32
      %scan3A_363 = arith.constant 0 : i32
      %scan3A_364 = arith.constant 8 : i32
      %scan3A_365 = arith.addi %scan3A_363, %scan3A_364 : i32
      %scan3A_366 = arith.constant 1 : i32
      scf.for %scan3A_368 = %scan3A_363 to %scan3A_365 step %scan3A_366  : i32 {
        %broadcast_in_dim3A = arith.constant 0.000000e+00 : f32
        %broadcast_in_dim3A_369 = vector.broadcast %broadcast_in_dim3A : f32 to vector<16xf32>
        %mul3A_370 = arith.constant 16 : i32
        %mul3A_371 = arith.muli %scan3A_368, %mul3A_370 : i32
        %swap3A = arith.index_cast %scan3A_361 : i32 to index
        %swap3A_372 = arith.index_cast %mul3A_371 : i32 to index
        %swap3A_373 = tpu.vector_load %arg11[%swap3A, %swap3A_372] {strides = array<i32>} : memref<128x128xf32, #tpu.memory_space<vmem>>, vector<1x16xf32>,
        %swap3A_374 = vector.shape_cast %swap3A_373 : vector<1x16xf32> to vector<16xf32>
        %swap3A_375 = vector.shape_cast %broadcast_in_dim3A_369 : vector<16xf32> to vector<1x16xf32>
        tpu.vector_store %arg11[%swap3A, %swap3A_372], %swap3A_375 {strides = array<i32>} : memref<128x128xf32, #tpu.memory_space<vmem>>, vector<1x16xf32>,
      }
      %scan3A_367 = arith.constant 8 : i32
    }
    %scan3A_9 = arith.constant 128 : i32
    %add3A_10 = arith.constant 0 : i32
    %add3A_11 = arith.addi %mul3A_2, %add3A_10 : i32
    "tpu.region"() ({
      %run_scoped3A = tpu.sem_alloc : memref<!tpu.dma_semaphore, #tpu.memory_space<semaphore_mem>>
      %dma_start3A_361 = arith.constant 0 : i32
      %dma_start3A_362 = tpu.memref_slice %arg16[%add3A_11, %dma_start3A_361] : memref<10240x128xf32, #tpu.memory_space<vmem_shared>> -> memref<128x128xf32, #tpu.memory_space<vmem_shared>>
      %dma_start3A_363 = arith.constant 0 : i32
      %dma_start3A_364 = tpu.memref_slice %arg16[%add3A_11, %dma_start3A_363] : memref<10240x128xf32, #tpu.memory_space<vmem_shared>> -> memref<128x128xf32, #tpu.memory_space<vmem_shared>>
      tpu.enqueue_dma source(%arg11 : memref<128x128xf32, #tpu.memory_space<vmem>>) target(%dma_start3A_364 : memref<128x128xf32, #tpu.memory_space<vmem_shared>>) target_semaphore(%run_scoped3A : memref<!tpu.dma_semaphore, #tpu.memory_space<semaphore_mem>>)
      %dma_wait3A_365 = arith.constant 0 : i32
      %dma_wait3A_366 = tpu.memref_slice %arg16[%add3A_11, %dma_wait3A_365] : memref<10240x128xf32, #tpu.memory_space<vmem_shared>> -> memref<128x128xf32, #tpu.memory_space<vmem_shared>>
      %dma_wait3A_367 = arith.constant 0 : i32
      %dma_wait3A_368 = tpu.memref_slice %arg16[%add3A_11, %dma_wait3A_367] : memref<10240x128xf32, #tpu.memory_space<vmem_shared>> -> memref<128x128xf32, #tpu.memory_space<vmem_shared>>
      tpu.wait_dma2 semaphore(%run_scoped3A : memref<!tpu.dma_semaphore, #tpu.memory_space<semaphore_mem>>) src(%arg11 : memref<128x128xf32, #tpu.memory_space<vmem>>) dst(%dma_wait3A_368 : memref<128x128xf32, #tpu.memory_space<vmem_shared>>)
      tpu.yield
    }) : () -> ()
    %add3A_12 = arith.constant 128 : i32
    %add3A_13 = arith.addi %mul3A_2, %add3A_12 : i32
    "tpu.region"() ({
      %run_scoped3A = tpu.sem_alloc : memref<!tpu.dma_semaphore, #tpu.memory_space<semaphore_mem>>
      %dma_start3A_361 = arith.constant 0 : i32
      %dma_start3A_362 = tpu.memref_slice %arg16[%add3A_13, %dma_start3A_361] : memref<10240x128xf32, #tpu.memory_space<vmem_shared>> -> memref<128x128xf32, #tpu.memory_space<vmem_shared>>
      %dma_start3A_363 = arith.constant 0 : i32
      %dma_start3A_364 = tpu.memref_slice %arg16[%add3A_13, %dma_start3A_363] : memref<10240x128xf32, #tpu.memory_space<vmem_shared>> -> memref<128x128xf32, #tpu.memory_space<vmem_shared>>
      tpu.enqueue_dma source(%arg11 : memref<128x128xf32, #tpu.memory_space<vmem>>) target(%dma_start3A_364 : memref<128x128xf32, #tpu.memory_space<vmem_shared>>) target_semaphore(%run_scoped3A : memref<!tpu.dma_semaphore, #tpu.memory_space<semaphore_mem>>)
      %dma_wait3A_365 = arith.constant 0 : i32
      %dma_wait3A_366 = tpu.memref_slice %arg16[%add3A_13, %dma_wait3A_365] : memref<10240x128xf32, #tpu.memory_space<vmem_shared>> -> memref<128x128xf32, #tpu.memory_space<vmem_shared>>
      %dma_wait3A_367 = arith.constant 0 : i32
      %dma_wait3A_368 = tpu.memref_slice %arg16[%add3A_13, %dma_wait3A_367] : memref<10240x128xf32, #tpu.memory_space<vmem_shared>> -> memref<128x128xf32, #tpu.memory_space<vmem_shared>>
      tpu.wait_dma2 semaphore(%run_scoped3A : memref<!tpu.dma_semaphore, #tpu.memory_space<semaphore_mem>>) src(%arg11 : memref<128x128xf32, #tpu.memory_space<vmem>>) dst(%dma_wait3A_368 : memref<128x128xf32, #tpu.memory_space<vmem_shared>>)
      tpu.yield
    }) : () -> ()
    %add3A_14 = arith.constant 256 : i32
    %add3A_15 = arith.addi %mul3A_2, %add3A_14 : i32
    "tpu.region"() ({
      %run_scoped3A = tpu.sem_alloc : memref<!tpu.dma_semaphore, #tpu.memory_space<semaphore_mem>>
      %dma_start3A_361 = arith.constant 0 : i32
      %dma_start3A_362 = tpu.memref_slice %arg16[%add3A_15, %dma_start3A_361] : memref<10240x128xf32, #tpu.memory_space<vmem_shared>> -> memref<128x128xf32, #tpu.memory_space<vmem_shared>>
      %dma_start3A_363 = arith.constant 0 : i32
      %dma_start3A_364 = tpu.memref_slice %arg16[%add3A_15, %dma_start3A_363] : memref<10240x128xf32, #tpu.memory_space<vmem_shared>> -> memref<128x128xf32, #tpu.memory_space<vmem_shared>>
      tpu.enqueue_dma source(%arg11 : memref<128x128xf32, #tpu.memory_space<vmem>>) target(%dma_start3A_364 : memref<128x128xf32, #tpu.memory_space<vmem_shared>>) target_semaphore(%run_scoped3A : memref<!tpu.dma_semaphore, #tpu.memory_space<semaphore_mem>>)
      %dma_wait3A_365 = arith.constant 0 : i32
      %dma_wait3A_366 = tpu.memref_slice %arg16[%add3A_15, %dma_wait3A_365] : memref<10240x128xf32, #tpu.memory_space<vmem_shared>> -> memref<128x128xf32, #tpu.memory_space<vmem_shared>>
      %dma_wait3A_367 = arith.constant 0 : i32
      %dma_wait3A_368 = tpu.memref_slice %arg16[%add3A_15, %dma_wait3A_367] : memref<10240x128xf32, #tpu.memory_space<vmem_shared>> -> memref<128x128xf32, #tpu.memory_space<vmem_shared>>
      tpu.wait_dma2 semaphore(%run_scoped3A : memref<!tpu.dma_semaphore, #tpu.memory_space<semaphore_mem>>) src(%arg11 : memref<128x128xf32, #tpu.memory_space<vmem>>) dst(%dma_wait3A_368 : memref<128x128xf32, #tpu.memory_space<vmem_shared>>)
      tpu.yield
    }) : () -> ()
    %add3A_16 = arith.constant 384 : i32
    %add3A_17 = arith.addi %mul3A_2, %add3A_16 : i32
    "tpu.region"() ({
      %run_scoped3A = tpu.sem_alloc : memref<!tpu.dma_semaphore, #tpu.memory_space<semaphore_mem>>
      %dma_start3A_361 = arith.constant 0 : i32
      %dma_start3A_362 = tpu.memref_slice %arg16[%add3A_17, %dma_start3A_361] : memref<10240x128xf32, #tpu.memory_space<vmem_shared>> -> memref<128x128xf32, #tpu.memory_space<vmem_shared>>
      %dma_start3A_363 = arith.constant 0 : i32
      %dma_start3A_364 = tpu.memref_slice %arg16[%add3A_17, %dma_start3A_363] : memref<10240x128xf32, #tpu.memory_space<vmem_shared>> -> memref<128x128xf32, #tpu.memory_space<vmem_shared>>
      tpu.enqueue_dma source(%arg11 : memref<128x128xf32, #tpu.memory_space<vmem>>) target(%dma_start3A_364 : memref<128x128xf32, #tpu.memory_space<vmem_shared>>) target_semaphore(%run_scoped3A : memref<!tpu.dma_semaphore, #tpu.memory_space<semaphore_mem>>)
      %dma_wait3A_365 = arith.constant 0 : i32
      %dma_wait3A_366 = tpu.memref_slice %arg16[%add3A_17, %dma_wait3A_365] : memref<10240x128xf32, #tpu.memory_space<vmem_shared>> -> memref<128x128xf32, #tpu.memory_space<vmem_shared>>
      %dma_wait3A_367 = arith.constant 0 : i32
      %dma_wait3A_368 = tpu.memref_slice %arg16[%add3A_17, %dma_wait3A_367] : memref<10240x128xf32, #tpu.memory_space<vmem_shared>> -> memref<128x128xf32, #tpu.memory_space<vmem_shared>>
      tpu.wait_dma2 semaphore(%run_scoped3A : memref<!tpu.dma_semaphore, #tpu.memory_space<semaphore_mem>>) src(%arg11 : memref<128x128xf32, #tpu.memory_space<vmem>>) dst(%dma_wait3A_368 : memref<128x128xf32, #tpu.memory_space<vmem_shared>>)
      tpu.yield
    }) : () -> ()
    %add3A_18 = arith.constant 512 : i32
    %add3A_19 = arith.addi %mul3A_2, %add3A_18 : i32
    "tpu.region"() ({
      %run_scoped3A = tpu.sem_alloc : memref<!tpu.dma_semaphore, #tpu.memory_space<semaphore_mem>>
      %dma_start3A_361 = arith.constant 0 : i32
      %dma_start3A_362 = tpu.memref_slice %arg16[%add3A_19, %dma_start3A_361] : memref<10240x128xf32, #tpu.memory_space<vmem_shared>> -> memref<128x128xf32, #tpu.memory_space<vmem_shared>>
      %dma_start3A_363 = arith.constant 0 : i32
      %dma_start3A_364 = tpu.memref_slice %arg16[%add3A_19, %dma_start3A_363] : memref<10240x128xf32, #tpu.memory_space<vmem_shared>> -> memref<128x128xf32, #tpu.memory_space<vmem_shared>>
      tpu.enqueue_dma source(%arg11 : memref<128x128xf32, #tpu.memory_space<vmem>>) target(%dma_start3A_364 : memref<128x128xf32, #tpu.memory_space<vmem_shared>>) target_semaphore(%run_scoped3A : memref<!tpu.dma_semaphore, #tpu.memory_space<semaphore_mem>>)
      %dma_wait3A_365 = arith.constant 0 : i32
      %dma_wait3A_366 = tpu.memref_slice %arg16[%add3A_19, %dma_wait3A_365] : memref<10240x128xf32, #tpu.memory_space<vmem_shared>> -> memref<128x128xf32, #tpu.memory_space<vmem_shared>>
      %dma_wait3A_367 = arith.constant 0 : i32
      %dma_wait3A_368 = tpu.memref_slice %arg16[%add3A_19, %dma_wait3A_367] : memref<10240x128xf32, #tpu.memory_space<vmem_shared>> -> memref<128x128xf32, #tpu.memory_space<vmem_shared>>
      tpu.wait_dma2 semaphore(%run_scoped3A : memref<!tpu.dma_semaphore, #tpu.memory_space<semaphore_mem>>) src(%arg11 : memref<128x128xf32, #tpu.memory_space<vmem>>) dst(%dma_wait3A_368 : memref<128x128xf32, #tpu.memory_space<vmem_shared>>)
      tpu.yield
    }) : () -> ()
    %barrier3A = arith.constant 0 : index
    tpu.barrier barrier_id(%barrier3A)
    %mul3A_20 = arith.constant 128 : i32
    %mul3A_21 = arith.muli %mul3A_4, %mul3A_20 : i32
    "tpu.region"() ({
      %run_scoped3A = tpu.sem_alloc : memref<!tpu.dma_semaphore, #tpu.memory_space<semaphore_mem>>
      %dma_start3A_361 = tpu.memref_slice %arg3[%mul3A_21] : memref<320000xi32, #tpu.memory_space<hbm>> -> memref<128xi32, #tpu.memory_space<hbm>>
      %dma_start3A_362 = tpu.memref_slice %arg3[%mul3A_21] : memref<320000xi32, #tpu.memory_space<hbm>> -> memref<128xi32, #tpu.memory_space<hbm>>
      tpu.enqueue_dma source(%dma_start3A_362 : memref<128xi32, #tpu.memory_space<hbm>>) target(%arg7 : memref<128xi32, #tpu.memory_space<vmem>>) target_semaphore(%run_scoped3A : memref<!tpu.dma_semaphore, #tpu.memory_space<semaphore_mem>>)
      %dma_wait3A_363 = tpu.memref_slice %arg3[%mul3A_21] : memref<320000xi32, #tpu.memory_space<hbm>> -> memref<128xi32, #tpu.memory_space<hbm>>
      %dma_wait3A_364 = tpu.memref_slice %arg3[%mul3A_21] : memref<320000xi32, #tpu.memory_space<hbm>> -> memref<128xi32, #tpu.memory_space<hbm>>
      tpu.wait_dma2 semaphore(%run_scoped3A : memref<!tpu.dma_semaphore, #tpu.memory_space<semaphore_mem>>) src(%dma_wait3A_364 : memref<128xi32, #tpu.memory_space<hbm>>) dst(%arg7 : memref<128xi32, #tpu.memory_space<vmem>>)
      tpu.yield
    }) : () -> ()
    %mul3A_22 = arith.constant 128 : i32
    %mul3A_23 = arith.muli %mul3A_4, %mul3A_22 : i32
    "tpu.region"() ({
      %run_scoped3A = tpu.sem_alloc : memref<!tpu.dma_semaphore, #tpu.memory_space<semaphore_mem>>
      %dma_start3A_361 = tpu.memref_slice %arg4[%mul3A_23] : memref<320000xi32, #tpu.memory_space<hbm>> -> memref<128xi32, #tpu.memory_space<hbm>>
      %dma_start3A_362 = tpu.memref_slice %arg4[%mul3A_23] : memref<320000xi32, #tpu.memory_space<hbm>> -> memref<128xi32, #tpu.memory_space<hbm>>
      tpu.enqueue_dma source(%dma_start3A_362 : memref<128xi32, #tpu.memory_space<hbm>>) target(%arg9 : memref<128xi32, #tpu.memory_space<vmem>>) target_semaphore(%run_scoped3A : memref<!tpu.dma_semaphore, #tpu.memory_space<semaphore_mem>>)
      %dma_wait3A_363 = tpu.memref_slice %arg4[%mul3A_23] : memref<320000xi32, #tpu.memory_space<hbm>> -> memref<128xi32, #tpu.memory_space<hbm>>
      %dma_wait3A_364 = tpu.memref_slice %arg4[%mul3A_23] : memref<320000xi32, #tpu.memory_space<hbm>> -> memref<128xi32, #tpu.memory_space<hbm>>
      tpu.wait_dma2 semaphore(%run_scoped3A : memref<!tpu.dma_semaphore, #tpu.memory_space<semaphore_mem>>) src(%dma_wait3A_364 : memref<128xi32, #tpu.memory_space<hbm>>) dst(%arg9 : memref<128xi32, #tpu.memory_space<vmem>>)
      tpu.yield
    }) : () -> ()
    %dma_start3A = arith.constant 0 : i32
    %dma_start3A_24 = arith.constant 0 : i32
    %dma_start3A_25 = tpu.memref_slice %arg11[%dma_start3A, %dma_start3A_24] : memref<128x128xf32, #tpu.memory_space<vmem>> -> memref<64x128xf32, #tpu.memory_space<vmem>>
    %dma_start3A_26 = arith.constant 0 : i32
    %dma_start3A_27 = tpu.memref_slice %arg7[%dma_start3A_26] : memref<128xi32, #tpu.memory_space<vmem>> -> memref<64xi32, #tpu.memory_space<vmem>>
    %dma_start3A_28 = arith.constant 0 : i32
    %dma_start3A_29 = arith.constant 0 : i32
    %dma_start3A_30 = tpu.memref_slice %arg2[%dma_start3A_28, %dma_start3A_29] : memref<10000x128xf32, #tpu.memory_space<hbm>> -> memref<10000x128xf32, #tpu.memory_space<hbm>>
    tpu.enqueue_indirect_dma source(%dma_start3A_30 : memref<10000x128xf32, #tpu.memory_space<hbm>>) target(%dma_start3A_25 : memref<64x128xf32, #tpu.memory_space<vmem>>) offsets(%dma_start3A_27 : memref<64xi32, #tpu.memory_space<vmem>>) semaphore(%arg17 : memref<!tpu.dma_semaphore, #tpu.memory_space<semaphore_mem>>)
    %dma_start3A_31 = arith.constant 64 : i32
    %dma_start3A_32 = arith.constant 0 : i32
    %dma_start3A_33 = tpu.memref_slice %arg11[%dma_start3A_31, %dma_start3A_32] : memref<128x128xf32, #tpu.memory_space<vmem>> -> memref<64x128xf32, #tpu.memory_space<vmem>>
    %dma_start3A_34 = arith.constant 64 : i32
    %dma_start3A_35 = tpu.memref_slice %arg7[%dma_start3A_34] : memref<128xi32, #tpu.memory_space<vmem>> -> memref<64xi32, #tpu.memory_space<vmem>>
    %dma_start3A_36 = arith.constant 0 : i32
    %dma_start3A_37 = arith.constant 0 : i32
    %dma_start3A_38 = tpu.memref_slice %arg2[%dma_start3A_36, %dma_start3A_37] : memref<10000x128xf32, #tpu.memory_space<hbm>> -> memref<10000x128xf32, #tpu.memory_space<hbm>>
    tpu.enqueue_indirect_dma source(%dma_start3A_38 : memref<10000x128xf32, #tpu.memory_space<hbm>>) target(%dma_start3A_33 : memref<64x128xf32, #tpu.memory_space<vmem>>) offsets(%dma_start3A_35 : memref<64xi32, #tpu.memory_space<vmem>>) semaphore(%arg18 : memref<!tpu.dma_semaphore, #tpu.memory_space<semaphore_mem>>)
    %add3A_39 = arith.constant 1 : i32
    %add3A_40 = arith.addi %mul3A_4, %add3A_39 : i32
    %mul3A_41 = arith.constant 128 : i32
    %mul3A_42 = arith.muli %add3A_40, %mul3A_41 : i32
    %dma_start3A_43 = tpu.memref_slice %arg3[%mul3A_42] : memref<320000xi32, #tpu.memory_space<hbm>> -> memref<128xi32, #tpu.memory_space<hbm>>
    %dma_start3A_44 = tpu.memref_slice %arg3[%mul3A_42] : memref<320000xi32, #tpu.memory_space<hbm>> -> memref<128xi32, #tpu.memory_space<hbm>>
    tpu.enqueue_dma source(%dma_start3A_44 : memref<128xi32, #tpu.memory_space<hbm>>) target(%arg8 : memref<128xi32, #tpu.memory_space<vmem>>) target_semaphore(%arg21 : memref<!tpu.dma_semaphore, #tpu.memory_space<semaphore_mem>>)
    %add3A_45 = arith.constant 1 : i32
    %add3A_46 = arith.addi %mul3A_4, %add3A_45 : i32
    %mul3A_47 = arith.constant 128 : i32
    %mul3A_48 = arith.muli %add3A_46, %mul3A_47 : i32
    %dma_start3A_49 = tpu.memref_slice %arg4[%mul3A_48] : memref<320000xi32, #tpu.memory_space<hbm>> -> memref<128xi32, #tpu.memory_space<hbm>>
    %dma_start3A_50 = tpu.memref_slice %arg4[%mul3A_48] : memref<320000xi32, #tpu.memory_space<hbm>> -> memref<128xi32, #tpu.memory_space<hbm>>
    tpu.enqueue_dma source(%dma_start3A_50 : memref<128xi32, #tpu.memory_space<hbm>>) target(%arg10 : memref<128xi32, #tpu.memory_space<vmem>>) target_semaphore(%arg21 : memref<!tpu.dma_semaphore, #tpu.memory_space<semaphore_mem>>)
    %scan3A_51 = arith.constant 0 : i32
    %scan3A_52 = arith.constant 0 : i32
    %scan3A_53 = arith.constant 38 : i32
    %scan3A_54 = arith.addi %scan3A_52, %scan3A_53 : i32
    %scan3A_55 = arith.constant 1 : i32
    scf.for %scan3A_361 = %scan3A_52 to %scan3A_54 step %scan3A_55  : i32 {
      %mul3A_362 = arith.constant 2 : i32
      %mul3A_363 = arith.muli %scan3A_361, %mul3A_362 : i32
      %add3A_364 = arith.addi %mul3A_4, %mul3A_363 : i32
      %add3A_365 = arith.constant 1 : i32
      %add3A_366 = arith.addi %add3A_364, %add3A_365 : i32
      %mul3A_367 = arith.constant 128 : i32
      %mul3A_368 = arith.muli %add3A_366, %mul3A_367 : i32
      %dma_wait3A_369 = tpu.memref_slice %arg3[%mul3A_368] : memref<320000xi32, #tpu.memory_space<hbm>> -> memref<128xi32, #tpu.memory_space<hbm>>
      %dma_wait3A_370 = tpu.memref_slice %arg3[%mul3A_368] : memref<320000xi32, #tpu.memory_space<hbm>> -> memref<128xi32, #tpu.memory_space<hbm>>
      tpu.wait_dma2 semaphore(%arg21 : memref<!tpu.dma_semaphore, #tpu.memory_space<semaphore_mem>>) src(%dma_wait3A_370 : memref<128xi32, #tpu.memory_space<hbm>>) dst(%arg8 : memref<128xi32, #tpu.memory_space<vmem>>)
      %add3A_371 = arith.addi %mul3A_4, %mul3A_363 : i32
      %add3A_372 = arith.constant 1 : i32
      %add3A_373 = arith.addi %add3A_371, %add3A_372 : i32
      %mul3A_374 = arith.constant 128 : i32
      %mul3A_375 = arith.muli %add3A_373, %mul3A_374 : i32
      %dma_wait3A_376 = tpu.memref_slice %arg4[%mul3A_375] : memref<320000xi32, #tpu.memory_space<hbm>> -> memref<128xi32, #tpu.memory_space<hbm>>
      %dma_wait3A_377 = tpu.memref_slice %arg4[%mul3A_375] : memref<320000xi32, #tpu.memory_space<hbm>> -> memref<128xi32, #tpu.memory_space<hbm>>
      tpu.wait_dma2 semaphore(%arg21 : memref<!tpu.dma_semaphore, #tpu.memory_space<semaphore_mem>>) src(%dma_wait3A_377 : memref<128xi32, #tpu.memory_space<hbm>>) dst(%arg10 : memref<128xi32, #tpu.memory_space<vmem>>)
      %dma_start3A_378 = arith.constant 0 : i32
      %dma_start3A_379 = arith.constant 0 : i32
      %dma_start3A_380 = tpu.memref_slice %arg12[%dma_start3A_378, %dma_start3A_379] : memref<128x128xf32, #tpu.memory_space<vmem>> -> memref<64x128xf32, #tpu.memory_space<vmem>>
      %dma_start3A_381 = arith.constant 0 : i32
      %dma_start3A_382 = tpu.memref_slice %arg8[%dma_start3A_381] : memref<128xi32, #tpu.memory_space<vmem>> -> memref<64xi32, #tpu.memory_space<vmem>>
      %dma_start3A_383 = arith.constant 0 : i32
      %dma_start3A_384 = arith.constant 0 : i32
      %dma_start3A_385 = tpu.memref_slice %arg2[%dma_start3A_383, %dma_start3A_384] : memref<10000x128xf32, #tpu.memory_space<hbm>> -> memref<10000x128xf32, #tpu.memory_space<hbm>>
      tpu.enqueue_indirect_dma source(%dma_start3A_385 : memref<10000x128xf32, #tpu.memory_space<hbm>>) target(%dma_start3A_380 : memref<64x128xf32, #tpu.memory_space<vmem>>) offsets(%dma_start3A_382 : memref<64xi32, #tpu.memory_space<vmem>>) semaphore(%arg19 : memref<!tpu.dma_semaphore, #tpu.memory_space<semaphore_mem>>)
      %dma_start3A_386 = arith.constant 64 : i32
      %dma_start3A_387 = arith.constant 0 : i32
      %dma_start3A_388 = tpu.memref_slice %arg12[%dma_start3A_386, %dma_start3A_387] : memref<128x128xf32, #tpu.memory_space<vmem>> -> memref<64x128xf32, #tpu.memory_space<vmem>>
      %dma_start3A_389 = arith.constant 64 : i32
      %dma_start3A_390 = tpu.memref_slice %arg8[%dma_start3A_389] : memref<128xi32, #tpu.memory_space<vmem>> -> memref<64xi32, #tpu.memory_space<vmem>>
      %dma_start3A_391 = arith.constant 0 : i32
      %dma_start3A_392 = arith.constant 0 : i32
      %dma_start3A_393 = tpu.memref_slice %arg2[%dma_start3A_391, %dma_start3A_392] : memref<10000x128xf32, #tpu.memory_space<hbm>> -> memref<10000x128xf32, #tpu.memory_space<hbm>>
      tpu.enqueue_indirect_dma source(%dma_start3A_393 : memref<10000x128xf32, #tpu.memory_space<hbm>>) target(%dma_start3A_388 : memref<64x128xf32, #tpu.memory_space<vmem>>) offsets(%dma_start3A_390 : memref<64xi32, #tpu.memory_space<vmem>>) semaphore(%arg20 : memref<!tpu.dma_semaphore, #tpu.memory_space<semaphore_mem>>)
      %dma_wait3A_394 = arith.constant 0 : i32
      %dma_wait3A_395 = arith.constant 0 : i32
      %dma_wait3A_396 = tpu.memref_slice %arg11[%dma_wait3A_394, %dma_wait3A_395] : memref<128x128xf32, #tpu.memory_space<vmem>> -> memref<64x128xf32, #tpu.memory_space<vmem>>
      %dma_wait3A_397 = arith.constant 0 : i32
      %dma_wait3A_398 = tpu.memref_slice %arg7[%dma_wait3A_397] : memref<128xi32, #tpu.memory_space<vmem>> -> memref<64xi32, #tpu.memory_space<vmem>>
      %dma_wait3A_399 = arith.constant 0 : i32
      %dma_wait3A_400 = arith.constant 0 : i32
      %dma_wait3A_401 = tpu.memref_slice %arg2[%dma_wait3A_399, %dma_wait3A_400] : memref<10000x128xf32, #tpu.memory_space<hbm>> -> memref<10000x128xf32, #tpu.memory_space<hbm>>
      tpu.wait_indirect_dma semaphore(%arg17 : memref<!tpu.dma_semaphore, #tpu.memory_space<semaphore_mem>>) src(%dma_wait3A_401 : memref<10000x128xf32, #tpu.memory_space<hbm>>) dst(%dma_wait3A_396 : memref<64x128xf32, #tpu.memory_space<vmem>>)
      %dma_wait3A_402 = arith.constant 64 : i32
      %dma_wait3A_403 = arith.constant 0 : i32
      %dma_wait3A_404 = tpu.memref_slice %arg11[%dma_wait3A_402, %dma_wait3A_403] : memref<128x128xf32, #tpu.memory_space<vmem>> -> memref<64x128xf32, #tpu.memory_space<vmem>>
      %dma_wait3A_405 = arith.constant 64 : i32
      %dma_wait3A_406 = tpu.memref_slice %arg7[%dma_wait3A_405] : memref<128xi32, #tpu.memory_space<vmem>> -> memref<64xi32, #tpu.memory_space<vmem>>
      %dma_wait3A_407 = arith.constant 0 : i32
      %dma_wait3A_408 = arith.constant 0 : i32
      %dma_wait3A_409 = tpu.memref_slice %arg2[%dma_wait3A_407, %dma_wait3A_408] : memref<10000x128xf32, #tpu.memory_space<hbm>> -> memref<10000x128xf32, #tpu.memory_space<hbm>>
      tpu.wait_indirect_dma semaphore(%arg18 : memref<!tpu.dma_semaphore, #tpu.memory_space<semaphore_mem>>) src(%dma_wait3A_409 : memref<10000x128xf32, #tpu.memory_space<hbm>>) dst(%dma_wait3A_404 : memref<64x128xf32, #tpu.memory_space<vmem>>)
      "tpu.region"() ({
        %run_scoped3A = tpu.sem_alloc : memref<!tpu.dma_semaphore, #tpu.memory_space<semaphore_mem>>
        %dma_start3A_486 = arith.constant 0 : i32
        %dma_start3A_487 = arith.constant 0 : i32
        %dma_start3A_488 = tpu.memref_slice %arg16[%dma_start3A_486, %dma_start3A_487] : memref<10240x128xf32, #tpu.memory_space<vmem_shared>> -> memref<10240x128xf32, #tpu.memory_space<vmem_shared>>
        tpu.enqueue_indirect_dma source(%arg11 : memref<128x128xf32, #tpu.memory_space<vmem>>) target(%dma_start3A_488 : memref<10240x128xf32, #tpu.memory_space<vmem_shared>>) offsets(%arg9 : memref<128xi32, #tpu.memory_space<vmem>>) semaphore(%run_scoped3A : memref<!tpu.dma_semaphore, #tpu.memory_space<semaphore_mem>>) {add = true}
        %dma_wait3A_489 = arith.constant 0 : i32
        %dma_wait3A_490 = arith.constant 0 : i32
        %dma_wait3A_491 = tpu.memref_slice %arg16[%dma_wait3A_489, %dma_wait3A_490] : memref<10240x128xf32, #tpu.memory_space<vmem_shared>> -> memref<10240x128xf32, #tpu.memory_space<vmem_shared>>
        tpu.wait_indirect_dma semaphore(%run_scoped3A : memref<!tpu.dma_semaphore, #tpu.memory_space<semaphore_mem>>) src(%arg11 : memref<128x128xf32, #tpu.memory_space<vmem>>) dst(%dma_wait3A_491 : memref<10240x128xf32, #tpu.memory_space<vmem_shared>>)
        tpu.yield
      }) : () -> ()
      %add3A_410 = arith.addi %mul3A_4, %mul3A_363 : i32
      %add3A_411 = arith.constant 2 : i32
      %add3A_412 = arith.addi %add3A_410, %add3A_411 : i32
      %mul3A_413 = arith.constant 128 : i32
      %mul3A_414 = arith.muli %add3A_412, %mul3A_413 : i32
      %dma_start3A_415 = tpu.memref_slice %arg3[%mul3A_414] : memref<320000xi32, #tpu.memory_space<hbm>> -> memref<128xi32, #tpu.memory_space<hbm>>
      %dma_start3A_416 = tpu.memref_slice %arg3[%mul3A_414] : memref<320000xi32, #tpu.memory_space<hbm>> -> memref<128xi32, #tpu.memory_space<hbm>>
      tpu.enqueue_dma source(%dma_start3A_416 : memref<128xi32, #tpu.memory_space<hbm>>) target(%arg7 : memref<128xi32, #tpu.memory_space<vmem>>) target_semaphore(%arg21 : memref<!tpu.dma_semaphore, #tpu.memory_space<semaphore_mem>>)
      %add3A_417 = arith.addi %mul3A_4, %mul3A_363 : i32
      %add3A_418 = arith.constant 2 : i32
      %add3A_419 = arith.addi %add3A_417, %add3A_418 : i32
      %mul3A_420 = arith.constant 128 : i32
      %mul3A_421 = arith.muli %add3A_419, %mul3A_420 : i32
      %dma_start3A_422 = tpu.memref_slice %arg4[%mul3A_421] : memref<320000xi32, #tpu.memory_space<hbm>> -> memref<128xi32, #tpu.memory_space<hbm>>
      %dma_start3A_423 = tpu.memref_slice %arg4[%mul3A_421] : memref<320000xi32, #tpu.memory_space<hbm>> -> memref<128xi32, #tpu.memory_space<hbm>>
      tpu.enqueue_dma source(%dma_start3A_423 : memref<128xi32, #tpu.memory_space<hbm>>) target(%arg9 : memref<128xi32, #tpu.memory_space<vmem>>) target_semaphore(%arg21 : memref<!tpu.dma_semaphore, #tpu.memory_space<semaphore_mem>>)
      %add3A_424 = arith.constant 1 : i32
      %add3A_425 = arith.addi %mul3A_363, %add3A_424 : i32
      %add3A_426 = arith.addi %mul3A_4, %add3A_425 : i32
      %add3A_427 = arith.constant 1 : i32
      %add3A_428 = arith.addi %add3A_426, %add3A_427 : i32
      %mul3A_429 = arith.constant 128 : i32
      %mul3A_430 = arith.muli %add3A_428, %mul3A_429 : i32
      %dma_wait3A_431 = tpu.memref_slice %arg3[%mul3A_430] : memref<320000xi32, #tpu.memory_space<hbm>> -> memref<128xi32, #tpu.memory_space<hbm>>
      %dma_wait3A_432 = tpu.memref_slice %arg3[%mul3A_430] : memref<320000xi32, #tpu.memory_space<hbm>> -> memref<128xi32, #tpu.memory_space<hbm>>
      tpu.wait_dma2 semaphore(%arg21 : memref<!tpu.dma_semaphore, #tpu.memory_space<semaphore_mem>>) src(%dma_wait3A_432 : memref<128xi32, #tpu.memory_space<hbm>>) dst(%arg7 : memref<128xi32, #tpu.memory_space<vmem>>)
      %add3A_433 = arith.addi %mul3A_4, %add3A_425 : i32
      %add3A_434 = arith.constant 1 : i32
      %add3A_435 = arith.addi %add3A_433, %add3A_434 : i32
      %mul3A_436 = arith.constant 128 : i32
      %mul3A_437 = arith.muli %add3A_435, %mul3A_436 : i32
      %dma_wait3A_438 = tpu.memref_slice %arg4[%mul3A_437] : memref<320000xi32, #tpu.memory_space<hbm>> -> memref<128xi32, #tpu.memory_space<hbm>>
      %dma_wait3A_439 = tpu.memref_slice %arg4[%mul3A_437] : memref<320000xi32, #tpu.memory_space<hbm>> -> memref<128xi32, #tpu.memory_space<hbm>>
      tpu.wait_dma2 semaphore(%arg21 : memref<!tpu.dma_semaphore, #tpu.memory_space<semaphore_mem>>) src(%dma_wait3A_439 : memref<128xi32, #tpu.memory_space<hbm>>) dst(%arg9 : memref<128xi32, #tpu.memory_space<vmem>>)
      %dma_start3A_440 = arith.constant 0 : i32
      %dma_start3A_441 = arith.constant 0 : i32
      %dma_start3A_442 = tpu.memref_slice %arg11[%dma_start3A_440, %dma_start3A_441] : memref<128x128xf32, #tpu.memory_space<vmem>> -> memref<64x128xf32, #tpu.memory_space<vmem>>
      %dma_start3A_443 = arith.constant 0 : i32
      %dma_start3A_444 = tpu.memref_slice %arg7[%dma_start3A_443] : memref<128xi32, #tpu.memory_space<vmem>> -> memref<64xi32, #tpu.memory_space<vmem>>
      %dma_start3A_445 = arith.constant 0 : i32
      %dma_start3A_446 = arith.constant 0 : i32
      %dma_start3A_447 = tpu.memref_slice %arg2[%dma_start3A_445, %dma_start3A_446] : memref<10000x128xf32, #tpu.memory_space<hbm>> -> memref<10000x128xf32, #tpu.memory_space<hbm>>
      tpu.enqueue_indirect_dma source(%dma_start3A_447 : memref<10000x128xf32, #tpu.memory_space<hbm>>) target(%dma_start3A_442 : memref<64x128xf32, #tpu.memory_space<vmem>>) offsets(%dma_start3A_444 : memref<64xi32, #tpu.memory_space<vmem>>) semaphore(%arg17 : memref<!tpu.dma_semaphore, #tpu.memory_space<semaphore_mem>>)
      %dma_start3A_448 = arith.constant 64 : i32
      %dma_start3A_449 = arith.constant 0 : i32
      %dma_start3A_450 = tpu.memref_slice %arg11[%dma_start3A_448, %dma_start3A_449] : memref<128x128xf32, #tpu.memory_space<vmem>> -> memref<64x128xf32, #tpu.memory_space<vmem>>
      %dma_start3A_451 = arith.constant 64 : i32
      %dma_start3A_452 = tpu.memref_slice %arg7[%dma_start3A_451] : memref<128xi32, #tpu.memory_space<vmem>> -> memref<64xi32, #tpu.memory_space<vmem>>
      %dma_start3A_453 = arith.constant 0 : i32
      %dma_start3A_454 = arith.constant 0 : i32
      %dma_start3A_455 = tpu.memref_slice %arg2[%dma_start3A_453, %dma_start3A_454] : memref<10000x128xf32, #tpu.memory_space<hbm>> -> memref<10000x128xf32, #tpu.memory_space<hbm>>
      tpu.enqueue_indirect_dma source(%dma_start3A_455 : memref<10000x128xf32, #tpu.memory_space<hbm>>) target(%dma_start3A_450 : memref<64x128xf32, #tpu.memory_space<vmem>>) offsets(%dma_start3A_452 : memref<64xi32, #tpu.memory_space<vmem>>) semaphore(%arg18 : memref<!tpu.dma_semaphore, #tpu.memory_space<semaphore_mem>>)
      %dma_wait3A_456 = arith.constant 0 : i32
      %dma_wait3A_457 = arith.constant 0 : i32
      %dma_wait3A_458 = tpu.memref_slice %arg12[%dma_wait3A_456, %dma_wait3A_457] : memref<128x128xf32, #tpu.memory_space<vmem>> -> memref<64x128xf32, #tpu.memory_space<vmem>>
      %dma_wait3A_459 = arith.constant 0 : i32
      %dma_wait3A_460 = tpu.memref_slice %arg8[%dma_wait3A_459] : memref<128xi32, #tpu.memory_space<vmem>> -> memref<64xi32, #tpu.memory_space<vmem>>
      %dma_wait3A_461 = arith.constant 0 : i32
      %dma_wait3A_462 = arith.constant 0 : i32
      %dma_wait3A_463 = tpu.memref_slice %arg2[%dma_wait3A_461, %dma_wait3A_462] : memref<10000x128xf32, #tpu.memory_space<hbm>> -> memref<10000x128xf32, #tpu.memory_space<hbm>>
      tpu.wait_indirect_dma semaphore(%arg19 : memref<!tpu.dma_semaphore, #tpu.memory_space<semaphore_mem>>) src(%dma_wait3A_463 : memref<10000x128xf32, #tpu.memory_space<hbm>>) dst(%dma_wait3A_458 : memref<64x128xf32, #tpu.memory_space<vmem>>)
      %dma_wait3A_464 = arith.constant 64 : i32
      %dma_wait3A_465 = arith.constant 0 : i32
      %dma_wait3A_466 = tpu.memref_slice %arg12[%dma_wait3A_464, %dma_wait3A_465] : memref<128x128xf32, #tpu.memory_space<vmem>> -> memref<64x128xf32, #tpu.memory_space<vmem>>
      %dma_wait3A_467 = arith.constant 64 : i32
      %dma_wait3A_468 = tpu.memref_slice %arg8[%dma_wait3A_467] : memref<128xi32, #tpu.memory_space<vmem>> -> memref<64xi32, #tpu.memory_space<vmem>>
      %dma_wait3A_469 = arith.constant 0 : i32
      %dma_wait3A_470 = arith.constant 0 : i32
      %dma_wait3A_471 = tpu.memref_slice %arg2[%dma_wait3A_469, %dma_wait3A_470] : memref<10000x128xf32, #tpu.memory_space<hbm>> -> memref<10000x128xf32, #tpu.memory_space<hbm>>
      tpu.wait_indirect_dma semaphore(%arg20 : memref<!tpu.dma_semaphore, #tpu.memory_space<semaphore_mem>>) src(%dma_wait3A_471 : memref<10000x128xf32, #tpu.memory_space<hbm>>) dst(%dma_wait3A_466 : memref<64x128xf32, #tpu.memory_space<vmem>>)
      "tpu.region"() ({
        %run_scoped3A = tpu.sem_alloc : memref<!tpu.dma_semaphore, #tpu.memory_space<semaphore_mem>>
        %dma_start3A_486 = arith.constant 0 : i32
        %dma_start3A_487 = arith.constant 0 : i32
        %dma_start3A_488 = tpu.memref_slice %arg16[%dma_start3A_486, %dma_start3A_487] : memref<10240x128xf32, #tpu.memory_space<vmem_shared>> -> memref<10240x128xf32, #tpu.memory_space<vmem_shared>>
        tpu.enqueue_indirect_dma source(%arg12 : memref<128x128xf32, #tpu.memory_space<vmem>>) target(%dma_start3A_488 : memref<10240x128xf32, #tpu.memory_space<vmem_shared>>) offsets(%arg10 : memref<128xi32, #tpu.memory_space<vmem>>) semaphore(%run_scoped3A : memref<!tpu.dma_semaphore, #tpu.memory_space<semaphore_mem>>) {add = true}
        %dma_wait3A_489 = arith.constant 0 : i32
        %dma_wait3A_490 = arith.constant 0 : i32
        %dma_wait3A_491 = tpu.memref_slice %arg16[%dma_wait3A_489, %dma_wait3A_490] : memref<10240x128xf32, #tpu.memory_space<vmem_shared>> -> memref<10240x128xf32, #tpu.memory_space<vmem_shared>>
        tpu.wait_indirect_dma semaphore(%run_scoped3A : memref<!tpu.dma_semaphore, #tpu.memory_space<semaphore_mem>>) src(%arg12 : memref<128x128xf32, #tpu.memory_space<vmem>>) dst(%dma_wait3A_491 : memref<10240x128xf32, #tpu.memory_space<vmem_shared>>)
        tpu.yield
      }) : () -> ()
      %add3A_472 = arith.addi %mul3A_4, %add3A_425 : i32
      %add3A_473 = arith.constant 2 : i32
      %add3A_474 = arith.addi %add3A_472, %add3A_473 : i32
      %mul3A_475 = arith.constant 128 : i32
      %mul3A_476 = arith.muli %add3A_474, %mul3A_475 : i32
      %dma_start3A_477 = tpu.memref_slice %arg3[%mul3A_476] : memref<320000xi32, #tpu.memory_space<hbm>> -> memref<128xi32, #tpu.memory_space<hbm>>
      %dma_start3A_478 = tpu.memref_slice %arg3[%mul3A_476] : memref<320000xi32, #tpu.memory_space<hbm>> -> memref<128xi32, #tpu.memory_space<hbm>>
      tpu.enqueue_dma source(%dma_start3A_478 : memref<128xi32, #tpu.memory_space<hbm>>) target(%arg8 : memref<128xi32, #tpu.memory_space<vmem>>) target_semaphore(%arg21 : memref<!tpu.dma_semaphore, #tpu.memory_space<semaphore_mem>>)
      %add3A_479 = arith.addi %mul3A_4, %add3A_425 : i32
      %add3A_480 = arith.constant 2 : i32
      %add3A_481 = arith.addi %add3A_479, %add3A_480 : i32
      %mul3A_482 = arith.constant 128 : i32
      %mul3A_483 = arith.muli %add3A_481, %mul3A_482 : i32
      %dma_start3A_484 = tpu.memref_slice %arg4[%mul3A_483] : memref<320000xi32, #tpu.memory_space<hbm>> -> memref<128xi32, #tpu.memory_space<hbm>>
      %dma_start3A_485 = tpu.memref_slice %arg4[%mul3A_483] : memref<320000xi32, #tpu.memory_space<hbm>> -> memref<128xi32, #tpu.memory_space<hbm>>
      tpu.enqueue_dma source(%dma_start3A_485 : memref<128xi32, #tpu.memory_space<hbm>>) target(%arg10 : memref<128xi32, #tpu.memory_space<vmem>>) target_semaphore(%arg21 : memref<!tpu.dma_semaphore, #tpu.memory_space<semaphore_mem>>)
    }
    %scan3A_56 = arith.constant 38 : i32
    %mul3A_57 = arith.constant 16 : i32
    %mul3A_58 = arith.muli %add3A, %mul3A_57 : i32
    %add3A_59 = arith.constant 319488 : i32
    %add3A_60 = arith.addi %add3A_59, %mul3A_58 : i32
    %dma_start3A_61 = tpu.memref_slice %arg3[%add3A_60] : memref<320000xi32, #tpu.memory_space<hbm>> -> memref<16xi32, #tpu.memory_space<hbm>>
    %dma_start3A_62 = tpu.memref_slice %arg3[%add3A_60] : memref<320000xi32, #tpu.memory_space<hbm>> -> memref<16xi32, #tpu.memory_space<hbm>>
    tpu.enqueue_dma source(%dma_start3A_62 : memref<16xi32, #tpu.memory_space<hbm>>) target(%arg13 : memref<16xi32, #tpu.memory_space<vmem>>) target_semaphore(%arg22 : memref<!tpu.dma_semaphore, #tpu.memory_space<semaphore_mem>>)
    %dma_start3A_63 = tpu.memref_slice %arg4[%add3A_60] : memref<320000xi32, #tpu.memory_space<hbm>> -> memref<16xi32, #tpu.memory_space<hbm>>
    %dma_start3A_64 = tpu.memref_slice %arg4[%add3A_60] : memref<320000xi32, #tpu.memory_space<hbm>> -> memref<16xi32, #tpu.memory_space<hbm>>
    tpu.enqueue_dma source(%dma_start3A_64 : memref<16xi32, #tpu.memory_space<hbm>>) target(%arg14 : memref<16xi32, #tpu.memory_space<vmem>>) target_semaphore(%arg22 : memref<!tpu.dma_semaphore, #tpu.memory_space<semaphore_mem>>)
    %add3A_65 = arith.constant 76 : i32
    %add3A_66 = arith.addi %mul3A_4, %add3A_65 : i32
    %add3A_67 = arith.constant 1 : i32
    %add3A_68 = arith.addi %add3A_66, %add3A_67 : i32
    %mul3A_69 = arith.constant 128 : i32
    %mul3A_70 = arith.muli %add3A_68, %mul3A_69 : i32
    %dma_wait3A = tpu.memref_slice %arg3[%mul3A_70] : memref<320000xi32, #tpu.memory_space<hbm>> -> memref<128xi32, #tpu.memory_space<hbm>>
    %dma_wait3A_71 = tpu.memref_slice %arg3[%mul3A_70] : memref<320000xi32, #tpu.memory_space<hbm>> -> memref<128xi32, #tpu.memory_space<hbm>>
    tpu.wait_dma2 semaphore(%arg21 : memref<!tpu.dma_semaphore, #tpu.memory_space<semaphore_mem>>) src(%dma_wait3A_71 : memref<128xi32, #tpu.memory_space<hbm>>) dst(%arg8 : memref<128xi32, #tpu.memory_space<vmem>>)
    %add3A_72 = arith.constant 76 : i32
    %add3A_73 = arith.addi %mul3A_4, %add3A_72 : i32
    %add3A_74 = arith.constant 1 : i32
    %add3A_75 = arith.addi %add3A_73, %add3A_74 : i32
    %mul3A_76 = arith.constant 128 : i32
    %mul3A_77 = arith.muli %add3A_75, %mul3A_76 : i32
    %dma_wait3A_78 = tpu.memref_slice %arg4[%mul3A_77] : memref<320000xi32, #tpu.memory_space<hbm>> -> memref<128xi32, #tpu.memory_space<hbm>>
    %dma_wait3A_79 = tpu.memref_slice %arg4[%mul3A_77] : memref<320000xi32, #tpu.memory_space<hbm>> -> memref<128xi32, #tpu.memory_space<hbm>>
    tpu.wait_dma2 semaphore(%arg21 : memref<!tpu.dma_semaphore, #tpu.memory_space<semaphore_mem>>) src(%dma_wait3A_79 : memref<128xi32, #tpu.memory_space<hbm>>) dst(%arg10 : memref<128xi32, #tpu.memory_space<vmem>>)
    %dma_start3A_80 = arith.constant 0 : i32
    %dma_start3A_81 = arith.constant 0 : i32
    %dma_start3A_82 = tpu.memref_slice %arg12[%dma_start3A_80, %dma_start3A_81] : memref<128x128xf32, #tpu.memory_space<vmem>> -> memref<64x128xf32, #tpu.memory_space<vmem>>
    %dma_start3A_83 = arith.constant 0 : i32
    %dma_start3A_84 = tpu.memref_slice %arg8[%dma_start3A_83] : memref<128xi32, #tpu.memory_space<vmem>> -> memref<64xi32, #tpu.memory_space<vmem>>
    %dma_start3A_85 = arith.constant 0 : i32
    %dma_start3A_86 = arith.constant 0 : i32
    %dma_start3A_87 = tpu.memref_slice %arg2[%dma_start3A_85, %dma_start3A_86] : memref<10000x128xf32, #tpu.memory_space<hbm>> -> memref<10000x128xf32, #tpu.memory_space<hbm>>
    tpu.enqueue_indirect_dma source(%dma_start3A_87 : memref<10000x128xf32, #tpu.memory_space<hbm>>) target(%dma_start3A_82 : memref<64x128xf32, #tpu.memory_space<vmem>>) offsets(%dma_start3A_84 : memref<64xi32, #tpu.memory_space<vmem>>) semaphore(%arg19 : memref<!tpu.dma_semaphore, #tpu.memory_space<semaphore_mem>>)
    %dma_start3A_88 = arith.constant 64 : i32
    %dma_start3A_89 = arith.constant 0 : i32
    %dma_start3A_90 = tpu.memref_slice %arg12[%dma_start3A_88, %dma_start3A_89] : memref<128x128xf32, #tpu.memory_space<vmem>> -> memref<64x128xf32, #tpu.memory_space<vmem>>
    %dma_start3A_91 = arith.constant 64 : i32
    %dma_start3A_92 = tpu.memref_slice %arg8[%dma_start3A_91] : memref<128xi32, #tpu.memory_space<vmem>> -> memref<64xi32, #tpu.memory_space<vmem>>
    %dma_start3A_93 = arith.constant 0 : i32
    %dma_start3A_94 = arith.constant 0 : i32
    %dma_start3A_95 = tpu.memref_slice %arg2[%dma_start3A_93, %dma_start3A_94] : memref<10000x128xf32, #tpu.memory_space<hbm>> -> memref<10000x128xf32, #tpu.memory_space<hbm>>
    tpu.enqueue_indirect_dma source(%dma_start3A_95 : memref<10000x128xf32, #tpu.memory_space<hbm>>) target(%dma_start3A_90 : memref<64x128xf32, #tpu.memory_space<vmem>>) offsets(%dma_start3A_92 : memref<64xi32, #tpu.memory_space<vmem>>) semaphore(%arg20 : memref<!tpu.dma_semaphore, #tpu.memory_space<semaphore_mem>>)
    %dma_wait3A_96 = arith.constant 0 : i32
    %dma_wait3A_97 = arith.constant 0 : i32
    %dma_wait3A_98 = tpu.memref_slice %arg11[%dma_wait3A_96, %dma_wait3A_97] : memref<128x128xf32, #tpu.memory_space<vmem>> -> memref<64x128xf32, #tpu.memory_space<vmem>>
    %dma_wait3A_99 = arith.constant 0 : i32
    %dma_wait3A_100 = tpu.memref_slice %arg7[%dma_wait3A_99] : memref<128xi32, #tpu.memory_space<vmem>> -> memref<64xi32, #tpu.memory_space<vmem>>
    %dma_wait3A_101 = arith.constant 0 : i32
    %dma_wait3A_102 = arith.constant 0 : i32
    %dma_wait3A_103 = tpu.memref_slice %arg2[%dma_wait3A_101, %dma_wait3A_102] : memref<10000x128xf32, #tpu.memory_space<hbm>> -> memref<10000x128xf32, #tpu.memory_space<hbm>>
    tpu.wait_indirect_dma semaphore(%arg17 : memref<!tpu.dma_semaphore, #tpu.memory_space<semaphore_mem>>) src(%dma_wait3A_103 : memref<10000x128xf32, #tpu.memory_space<hbm>>) dst(%dma_wait3A_98 : memref<64x128xf32, #tpu.memory_space<vmem>>)
    %dma_wait3A_104 = arith.constant 64 : i32
    %dma_wait3A_105 = arith.constant 0 : i32
    %dma_wait3A_106 = tpu.memref_slice %arg11[%dma_wait3A_104, %dma_wait3A_105] : memref<128x128xf32, #tpu.memory_space<vmem>> -> memref<64x128xf32, #tpu.memory_space<vmem>>
    %dma_wait3A_107 = arith.constant 64 : i32
    %dma_wait3A_108 = tpu.memref_slice %arg7[%dma_wait3A_107] : memref<128xi32, #tpu.memory_space<vmem>> -> memref<64xi32, #tpu.memory_space<vmem>>
    %dma_wait3A_109 = arith.constant 0 : i32
    %dma_wait3A_110 = arith.constant 0 : i32
    %dma_wait3A_111 = tpu.memref_slice %arg2[%dma_wait3A_109, %dma_wait3A_110] : memref<10000x128xf32, #tpu.memory_space<hbm>> -> memref<10000x128xf32, #tpu.memory_space<hbm>>
    tpu.wait_indirect_dma semaphore(%arg18 : memref<!tpu.dma_semaphore, #tpu.memory_space<semaphore_mem>>) src(%dma_wait3A_111 : memref<10000x128xf32, #tpu.memory_space<hbm>>) dst(%dma_wait3A_106 : memref<64x128xf32, #tpu.memory_space<vmem>>)
    "tpu.region"() ({
      %run_scoped3A = tpu.sem_alloc : memref<!tpu.dma_semaphore, #tpu.memory_space<semaphore_mem>>
      %dma_start3A_361 = arith.constant 0 : i32
      %dma_start3A_362 = arith.constant 0 : i32
      %dma_start3A_363 = tpu.memref_slice %arg16[%dma_start3A_361, %dma_start3A_362] : memref<10240x128xf32, #tpu.memory_space<vmem_shared>> -> memref<10240x128xf32, #tpu.memory_space<vmem_shared>>
      tpu.enqueue_indirect_dma source(%arg11 : memref<128x128xf32, #tpu.memory_space<vmem>>) target(%dma_start3A_363 : memref<10240x128xf32, #tpu.memory_space<vmem_shared>>) offsets(%arg9 : memref<128xi32, #tpu.memory_space<vmem>>) semaphore(%run_scoped3A : memref<!tpu.dma_semaphore, #tpu.memory_space<semaphore_mem>>) {add = true}
      %dma_wait3A_364 = arith.constant 0 : i32
      %dma_wait3A_365 = arith.constant 0 : i32
      %dma_wait3A_366 = tpu.memref_slice %arg16[%dma_wait3A_364, %dma_wait3A_365] : memref<10240x128xf32, #tpu.memory_space<vmem_shared>> -> memref<10240x128xf32, #tpu.memory_space<vmem_shared>>
      tpu.wait_indirect_dma semaphore(%run_scoped3A : memref<!tpu.dma_semaphore, #tpu.memory_space<semaphore_mem>>) src(%arg11 : memref<128x128xf32, #tpu.memory_space<vmem>>) dst(%dma_wait3A_366 : memref<10240x128xf32, #tpu.memory_space<vmem_shared>>)
      tpu.yield
    }) : () -> ()
    %dma_wait3A_112 = arith.constant 0 : i32
    %dma_wait3A_113 = arith.constant 0 : i32
    %dma_wait3A_114 = tpu.memref_slice %arg12[%dma_wait3A_112, %dma_wait3A_113] : memref<128x128xf32, #tpu.memory_space<vmem>> -> memref<64x128xf32, #tpu.memory_space<vmem>>
    %dma_wait3A_115 = arith.constant 0 : i32
    %dma_wait3A_116 = tpu.memref_slice %arg8[%dma_wait3A_115] : memref<128xi32, #tpu.memory_space<vmem>> -> memref<64xi32, #tpu.memory_space<vmem>>
    %dma_wait3A_117 = arith.constant 0 : i32
    %dma_wait3A_118 = arith.constant 0 : i32
    %dma_wait3A_119 = tpu.memref_slice %arg2[%dma_wait3A_117, %dma_wait3A_118] : memref<10000x128xf32, #tpu.memory_space<hbm>> -> memref<10000x128xf32, #tpu.memory_space<hbm>>
    tpu.wait_indirect_dma semaphore(%arg19 : memref<!tpu.dma_semaphore, #tpu.memory_space<semaphore_mem>>) src(%dma_wait3A_119 : memref<10000x128xf32, #tpu.memory_space<hbm>>) dst(%dma_wait3A_114 : memref<64x128xf32, #tpu.memory_space<vmem>>)
    %dma_wait3A_120 = arith.constant 64 : i32
    %dma_wait3A_121 = arith.constant 0 : i32
    %dma_wait3A_122 = tpu.memref_slice %arg12[%dma_wait3A_120, %dma_wait3A_121] : memref<128x128xf32, #tpu.memory_space<vmem>> -> memref<64x128xf32, #tpu.memory_space<vmem>>
    %dma_wait3A_123 = arith.constant 64 : i32
    %dma_wait3A_124 = tpu.memref_slice %arg8[%dma_wait3A_123] : memref<128xi32, #tpu.memory_space<vmem>> -> memref<64xi32, #tpu.memory_space<vmem>>
    %dma_wait3A_125 = arith.constant 0 : i32
    %dma_wait3A_126 = arith.constant 0 : i32
    %dma_wait3A_127 = tpu.memref_slice %arg2[%dma_wait3A_125, %dma_wait3A_126] : memref<10000x128xf32, #tpu.memory_space<hbm>> -> memref<10000x128xf32, #tpu.memory_space<hbm>>
    tpu.wait_indirect_dma semaphore(%arg20 : memref<!tpu.dma_semaphore, #tpu.memory_space<semaphore_mem>>) src(%dma_wait3A_127 : memref<10000x128xf32, #tpu.memory_space<hbm>>) dst(%dma_wait3A_122 : memref<64x128xf32, #tpu.memory_space<vmem>>)
    "tpu.region"() ({
      %run_scoped3A = tpu.sem_alloc : memref<!tpu.dma_semaphore, #tpu.memory_space<semaphore_mem>>
      %dma_start3A_361 = arith.constant 0 : i32
      %dma_start3A_362 = arith.constant 0 : i32
      %dma_start3A_363 = tpu.memref_slice %arg16[%dma_start3A_361, %dma_start3A_362] : memref<10240x128xf32, #tpu.memory_space<vmem_shared>> -> memref<10240x128xf32, #tpu.memory_space<vmem_shared>>
      tpu.enqueue_indirect_dma source(%arg12 : memref<128x128xf32, #tpu.memory_space<vmem>>) target(%dma_start3A_363 : memref<10240x128xf32, #tpu.memory_space<vmem_shared>>) offsets(%arg10 : memref<128xi32, #tpu.memory_space<vmem>>) semaphore(%run_scoped3A : memref<!tpu.dma_semaphore, #tpu.memory_space<semaphore_mem>>) {add = true}
      %dma_wait3A_364 = arith.constant 0 : i32
      %dma_wait3A_365 = arith.constant 0 : i32
      %dma_wait3A_366 = tpu.memref_slice %arg16[%dma_wait3A_364, %dma_wait3A_365] : memref<10240x128xf32, #tpu.memory_space<vmem_shared>> -> memref<10240x128xf32, #tpu.memory_space<vmem_shared>>
      tpu.wait_indirect_dma semaphore(%run_scoped3A : memref<!tpu.dma_semaphore, #tpu.memory_space<semaphore_mem>>) src(%arg12 : memref<128x128xf32, #tpu.memory_space<vmem>>) dst(%dma_wait3A_366 : memref<10240x128xf32, #tpu.memory_space<vmem_shared>>)
      tpu.yield
    }) : () -> ()
    %dma_wait3A_128 = tpu.memref_slice %arg3[%add3A_60] : memref<320000xi32, #tpu.memory_space<hbm>> -> memref<16xi32, #tpu.memory_space<hbm>>
    %dma_wait3A_129 = tpu.memref_slice %arg3[%add3A_60] : memref<320000xi32, #tpu.memory_space<hbm>> -> memref<16xi32, #tpu.memory_space<hbm>>
    tpu.wait_dma2 semaphore(%arg22 : memref<!tpu.dma_semaphore, #tpu.memory_space<semaphore_mem>>) src(%dma_wait3A_129 : memref<16xi32, #tpu.memory_space<hbm>>) dst(%arg13 : memref<16xi32, #tpu.memory_space<vmem>>)
    %dma_wait3A_130 = tpu.memref_slice %arg4[%add3A_60] : memref<320000xi32, #tpu.memory_space<hbm>> -> memref<16xi32, #tpu.memory_space<hbm>>
    %dma_wait3A_131 = tpu.memref_slice %arg4[%add3A_60] : memref<320000xi32, #tpu.memory_space<hbm>> -> memref<16xi32, #tpu.memory_space<hbm>>
    tpu.wait_dma2 semaphore(%arg22 : memref<!tpu.dma_semaphore, #tpu.memory_space<semaphore_mem>>) src(%dma_wait3A_131 : memref<16xi32, #tpu.memory_space<hbm>>) dst(%arg14 : memref<16xi32, #tpu.memory_space<vmem>>)
    %dma_start3A_132 = arith.constant 0 : i32
    %dma_start3A_133 = arith.constant 0 : i32
    %dma_start3A_134 = tpu.memref_slice %arg2[%dma_start3A_132, %dma_start3A_133] : memref<10000x128xf32, #tpu.memory_space<hbm>> -> memref<10000x128xf32, #tpu.memory_space<hbm>>
    tpu.enqueue_indirect_dma source(%dma_start3A_134 : memref<10000x128xf32, #tpu.memory_space<hbm>>) target(%arg15 : memref<16x128xf32, #tpu.memory_space<vmem>>) offsets(%arg13 : memref<16xi32, #tpu.memory_space<vmem>>) semaphore(%arg17 : memref<!tpu.dma_semaphore, #tpu.memory_space<semaphore_mem>>)
    %dma_wait3A_135 = arith.constant 0 : i32
    %dma_wait3A_136 = arith.constant 0 : i32
    %dma_wait3A_137 = tpu.memref_slice %arg2[%dma_wait3A_135, %dma_wait3A_136] : memref<10000x128xf32, #tpu.memory_space<hbm>> -> memref<10000x128xf32, #tpu.memory_space<hbm>>
    tpu.wait_indirect_dma semaphore(%arg17 : memref<!tpu.dma_semaphore, #tpu.memory_space<semaphore_mem>>) src(%dma_wait3A_137 : memref<10000x128xf32, #tpu.memory_space<hbm>>) dst(%arg15 : memref<16x128xf32, #tpu.memory_space<vmem>>)
    "tpu.region"() ({
      %run_scoped3A = tpu.sem_alloc : memref<!tpu.dma_semaphore, #tpu.memory_space<semaphore_mem>>
      %dma_start3A_361 = arith.constant 0 : i32
      %dma_start3A_362 = arith.constant 0 : i32
      %dma_start3A_363 = tpu.memref_slice %arg16[%dma_start3A_361, %dma_start3A_362] : memref<10240x128xf32, #tpu.memory_space<vmem_shared>> -> memref<10240x128xf32, #tpu.memory_space<vmem_shared>>
      tpu.enqueue_indirect_dma source(%arg15 : memref<16x128xf32, #tpu.memory_space<vmem>>) target(%dma_start3A_363 : memref<10240x128xf32, #tpu.memory_space<vmem_shared>>) offsets(%arg14 : memref<16xi32, #tpu.memory_space<vmem>>) semaphore(%run_scoped3A : memref<!tpu.dma_semaphore, #tpu.memory_space<semaphore_mem>>) {add = true}
      %dma_wait3A_364 = arith.constant 0 : i32
      %dma_wait3A_365 = arith.constant 0 : i32
      %dma_wait3A_366 = tpu.memref_slice %arg16[%dma_wait3A_364, %dma_wait3A_365] : memref<10240x128xf32, #tpu.memory_space<vmem_shared>> -> memref<10240x128xf32, #tpu.memory_space<vmem_shared>>
      tpu.wait_indirect_dma semaphore(%run_scoped3A : memref<!tpu.dma_semaphore, #tpu.memory_space<semaphore_mem>>) src(%arg15 : memref<16x128xf32, #tpu.memory_space<vmem>>) dst(%dma_wait3A_366 : memref<10240x128xf32, #tpu.memory_space<vmem_shared>>)
      tpu.yield
    }) : () -> ()
    %mul3A_138 = arith.constant 128 : i32
    %mul3A_139 = arith.muli %mul3A_4, %mul3A_138 : i32
    %dma_start3A_140 = tpu.memref_slice %arg4[%mul3A_139] : memref<320000xi32, #tpu.memory_space<hbm>> -> memref<128xi32, #tpu.memory_space<hbm>>
    %dma_start3A_141 = tpu.memref_slice %arg4[%mul3A_139] : memref<320000xi32, #tpu.memory_space<hbm>> -> memref<128xi32, #tpu.memory_space<hbm>>
    tpu.enqueue_dma source(%dma_start3A_141 : memref<128xi32, #tpu.memory_space<hbm>>) target(%arg9 : memref<128xi32, #tpu.memory_space<vmem>>) target_semaphore(%arg21 : memref<!tpu.dma_semaphore, #tpu.memory_space<semaphore_mem>>)
    %add3A_142 = arith.constant 1 : i32
    %add3A_143 = arith.addi %mul3A_4, %add3A_142 : i32
    %mul3A_144 = arith.constant 128 : i32
    %mul3A_145 = arith.muli %add3A_143, %mul3A_144 : i32
    %dma_start3A_146 = tpu.memref_slice %arg4[%mul3A_145] : memref<320000xi32, #tpu.memory_space<hbm>> -> memref<128xi32, #tpu.memory_space<hbm>>
    %dma_start3A_147 = tpu.memref_slice %arg4[%mul3A_145] : memref<320000xi32, #tpu.memory_space<hbm>> -> memref<128xi32, #tpu.memory_space<hbm>>
    tpu.enqueue_dma source(%dma_start3A_147 : memref<128xi32, #tpu.memory_space<hbm>>) target(%arg10 : memref<128xi32, #tpu.memory_space<vmem>>) target_semaphore(%arg21 : memref<!tpu.dma_semaphore, #tpu.memory_space<semaphore_mem>>)
    %barrier3A_148 = arith.constant 0 : index
    tpu.barrier barrier_id(%barrier3A_148)
    %add3A_149 = arith.constant 0 : i32
    %add3A_150 = arith.addi %mul3A_2, %add3A_149 : i32
    "tpu.region"() ({
      %run_scoped3A = tpu.sem_alloc : memref<!tpu.dma_semaphore, #tpu.memory_space<semaphore_mem>>
      %dma_start3A_361 = arith.constant 0 : i32
      %dma_start3A_362 = tpu.memref_slice %arg16[%add3A_150, %dma_start3A_361] : memref<10240x128xf32, #tpu.memory_space<vmem_shared>> -> memref<128x128xf32, #tpu.memory_space<vmem_shared>>
      %dma_start3A_363 = arith.constant 0 : i32
      %dma_start3A_364 = tpu.memref_slice %arg16[%add3A_150, %dma_start3A_363] : memref<10240x128xf32, #tpu.memory_space<vmem_shared>> -> memref<128x128xf32, #tpu.memory_space<vmem_shared>>
      tpu.enqueue_dma source(%dma_start3A_364 : memref<128x128xf32, #tpu.memory_space<vmem_shared>>) target(%arg11 : memref<128x128xf32, #tpu.memory_space<vmem>>) target_semaphore(%run_scoped3A : memref<!tpu.dma_semaphore, #tpu.memory_space<semaphore_mem>>)
      %dma_wait3A_365 = arith.constant 0 : i32
      %dma_wait3A_366 = tpu.memref_slice %arg16[%add3A_150, %dma_wait3A_365] : memref<10240x128xf32, #tpu.memory_space<vmem_shared>> -> memref<128x128xf32, #tpu.memory_space<vmem_shared>>
      %dma_wait3A_367 = arith.constant 0 : i32
      %dma_wait3A_368 = tpu.memref_slice %arg16[%add3A_150, %dma_wait3A_367] : memref<10240x128xf32, #tpu.memory_space<vmem_shared>> -> memref<128x128xf32, #tpu.memory_space<vmem_shared>>
      tpu.wait_dma2 semaphore(%run_scoped3A : memref<!tpu.dma_semaphore, #tpu.memory_space<semaphore_mem>>) src(%dma_wait3A_368 : memref<128x128xf32, #tpu.memory_space<vmem_shared>>) dst(%arg11 : memref<128x128xf32, #tpu.memory_space<vmem>>)
      tpu.yield
    }) : () -> ()
    %add3A_151 = arith.constant 0 : i32
    %add3A_152 = arith.addi %mul3A_2, %add3A_151 : i32
    %dma_start3A_153 = arith.constant 0 : i32
    %dma_start3A_154 = tpu.memref_slice %arg5[%arg0, %add3A_152, %dma_start3A_153] : memref<2x10240x128xf32, #tpu.memory_space<hbm>> -> memref<1x128x128xf32, #tpu.memory_space<hbm>>
    %dma_start3A_155 = tpu.memref_squeeze %dma_start3A_154 : memref<1x128x128xf32, #tpu.memory_space<hbm>> -> memref<128x128xf32, #tpu.memory_space<hbm>>
    %dma_start3A_156 = arith.constant 0 : i32
    %dma_start3A_157 = tpu.memref_slice %arg5[%arg0, %add3A_152, %dma_start3A_156] : memref<2x10240x128xf32, #tpu.memory_space<hbm>> -> memref<1x128x128xf32, #tpu.memory_space<hbm>>
    %dma_start3A_158 = tpu.memref_squeeze %dma_start3A_157 : memref<1x128x128xf32, #tpu.memory_space<hbm>> -> memref<128x128xf32, #tpu.memory_space<hbm>>
    tpu.enqueue_dma source(%arg11 : memref<128x128xf32, #tpu.memory_space<vmem>>) target(%dma_start3A_158 : memref<128x128xf32, #tpu.memory_space<hbm>>) target_semaphore(%arg17 : memref<!tpu.dma_semaphore, #tpu.memory_space<semaphore_mem>>)
    %add3A_159 = arith.constant 128 : i32
    %add3A_160 = arith.addi %mul3A_2, %add3A_159 : i32
    "tpu.region"() ({
      %run_scoped3A = tpu.sem_alloc : memref<!tpu.dma_semaphore, #tpu.memory_space<semaphore_mem>>
      %dma_start3A_361 = arith.constant 0 : i32
      %dma_start3A_362 = tpu.memref_slice %arg16[%add3A_160, %dma_start3A_361] : memref<10240x128xf32, #tpu.memory_space<vmem_shared>> -> memref<128x128xf32, #tpu.memory_space<vmem_shared>>
      %dma_start3A_363 = arith.constant 0 : i32
      %dma_start3A_364 = tpu.memref_slice %arg16[%add3A_160, %dma_start3A_363] : memref<10240x128xf32, #tpu.memory_space<vmem_shared>> -> memref<128x128xf32, #tpu.memory_space<vmem_shared>>
      tpu.enqueue_dma source(%dma_start3A_364 : memref<128x128xf32, #tpu.memory_space<vmem_shared>>) target(%arg12 : memref<128x128xf32, #tpu.memory_space<vmem>>) target_semaphore(%run_scoped3A : memref<!tpu.dma_semaphore, #tpu.memory_space<semaphore_mem>>)
      %dma_wait3A_365 = arith.constant 0 : i32
      %dma_wait3A_366 = tpu.memref_slice %arg16[%add3A_160, %dma_wait3A_365] : memref<10240x128xf32, #tpu.memory_space<vmem_shared>> -> memref<128x128xf32, #tpu.memory_space<vmem_shared>>
      %dma_wait3A_367 = arith.constant 0 : i32
      %dma_wait3A_368 = tpu.memref_slice %arg16[%add3A_160, %dma_wait3A_367] : memref<10240x128xf32, #tpu.memory_space<vmem_shared>> -> memref<128x128xf32, #tpu.memory_space<vmem_shared>>
      tpu.wait_dma2 semaphore(%run_scoped3A : memref<!tpu.dma_semaphore, #tpu.memory_space<semaphore_mem>>) src(%dma_wait3A_368 : memref<128x128xf32, #tpu.memory_space<vmem_shared>>) dst(%arg12 : memref<128x128xf32, #tpu.memory_space<vmem>>)
      tpu.yield
    }) : () -> ()
    %add3A_161 = arith.constant 128 : i32
    %add3A_162 = arith.addi %mul3A_2, %add3A_161 : i32
    %dma_start3A_163 = arith.constant 0 : i32
    %dma_start3A_164 = tpu.memref_slice %arg5[%arg0, %add3A_162, %dma_start3A_163] : memref<2x10240x128xf32, #tpu.memory_space<hbm>> -> memref<1x128x128xf32, #tpu.memory_space<hbm>>
    %dma_start3A_165 = tpu.memref_squeeze %dma_start3A_164 : memref<1x128x128xf32, #tpu.memory_space<hbm>> -> memref<128x128xf32, #tpu.memory_space<hbm>>
    %dma_start3A_166 = arith.constant 0 : i32
    %dma_start3A_167 = tpu.memref_slice %arg5[%arg0, %add3A_162, %dma_start3A_166] : memref<2x10240x128xf32, #tpu.memory_space<hbm>> -> memref<1x128x128xf32, #tpu.memory_space<hbm>>
    %dma_start3A_168 = tpu.memref_squeeze %dma_start3A_167 : memref<1x128x128xf32, #tpu.memory_space<hbm>> -> memref<128x128xf32, #tpu.memory_space<hbm>>
    tpu.enqueue_dma source(%arg12 : memref<128x128xf32, #tpu.memory_space<vmem>>) target(%dma_start3A_168 : memref<128x128xf32, #tpu.memory_space<hbm>>) target_semaphore(%arg19 : memref<!tpu.dma_semaphore, #tpu.memory_space<semaphore_mem>>)
    %add3A_169 = arith.constant 0 : i32
    %add3A_170 = arith.addi %mul3A_2, %add3A_169 : i32
    %dma_wait3A_171 = arith.constant 0 : i32
    %dma_wait3A_172 = tpu.memref_slice %arg5[%arg0, %add3A_170, %dma_wait3A_171] : memref<2x10240x128xf32, #tpu.memory_space<hbm>> -> memref<1x128x128xf32, #tpu.memory_space<hbm>>
    %dma_wait3A_173 = tpu.memref_squeeze %dma_wait3A_172 : memref<1x128x128xf32, #tpu.memory_space<hbm>> -> memref<128x128xf32, #tpu.memory_space<hbm>>
    %dma_wait3A_174 = arith.constant 0 : i32
    %dma_wait3A_175 = tpu.memref_slice %arg5[%arg0, %add3A_170, %dma_wait3A_174] : memref<2x10240x128xf32, #tpu.memory_space<hbm>> -> memref<1x128x128xf32, #tpu.memory_space<hbm>>
    %dma_wait3A_176 = tpu.memref_squeeze %dma_wait3A_175 : memref<1x128x128xf32, #tpu.memory_space<hbm>> -> memref<128x128xf32, #tpu.memory_space<hbm>>
    tpu.wait_dma2 semaphore(%arg17 : memref<!tpu.dma_semaphore, #tpu.memory_space<semaphore_mem>>) src(%arg11 : memref<128x128xf32, #tpu.memory_space<vmem>>) dst(%dma_wait3A_176 : memref<128x128xf32, #tpu.memory_space<hbm>>)
    %add3A_177 = arith.constant 256 : i32
    %add3A_178 = arith.addi %mul3A_2, %add3A_177 : i32
    "tpu.region"() ({
      %run_scoped3A = tpu.sem_alloc : memref<!tpu.dma_semaphore, #tpu.memory_space<semaphore_mem>>
      %dma_start3A_361 = arith.constant 0 : i32
      %dma_start3A_362 = tpu.memref_slice %arg16[%add3A_178, %dma_start3A_361] : memref<10240x128xf32, #tpu.memory_space<vmem_shared>> -> memref<128x128xf32, #tpu.memory_space<vmem_shared>>
      %dma_start3A_363 = arith.constant 0 : i32
      %dma_start3A_364 = tpu.memref_slice %arg16[%add3A_178, %dma_start3A_363] : memref<10240x128xf32, #tpu.memory_space<vmem_shared>> -> memref<128x128xf32, #tpu.memory_space<vmem_shared>>
      tpu.enqueue_dma source(%dma_start3A_364 : memref<128x128xf32, #tpu.memory_space<vmem_shared>>) target(%arg11 : memref<128x128xf32, #tpu.memory_space<vmem>>) target_semaphore(%run_scoped3A : memref<!tpu.dma_semaphore, #tpu.memory_space<semaphore_mem>>)
      %dma_wait3A_365 = arith.constant 0 : i32
      %dma_wait3A_366 = tpu.memref_slice %arg16[%add3A_178, %dma_wait3A_365] : memref<10240x128xf32, #tpu.memory_space<vmem_shared>> -> memref<128x128xf32, #tpu.memory_space<vmem_shared>>
      %dma_wait3A_367 = arith.constant 0 : i32
      %dma_wait3A_368 = tpu.memref_slice %arg16[%add3A_178, %dma_wait3A_367] : memref<10240x128xf32, #tpu.memory_space<vmem_shared>> -> memref<128x128xf32, #tpu.memory_space<vmem_shared>>
      tpu.wait_dma2 semaphore(%run_scoped3A : memref<!tpu.dma_semaphore, #tpu.memory_space<semaphore_mem>>) src(%dma_wait3A_368 : memref<128x128xf32, #tpu.memory_space<vmem_shared>>) dst(%arg11 : memref<128x128xf32, #tpu.memory_space<vmem>>)
      tpu.yield
    }) : () -> ()
    %add3A_179 = arith.constant 256 : i32
    %add3A_180 = arith.addi %mul3A_2, %add3A_179 : i32
    %dma_start3A_181 = arith.constant 0 : i32
    %dma_start3A_182 = tpu.memref_slice %arg5[%arg0, %add3A_180, %dma_start3A_181] : memref<2x10240x128xf32, #tpu.memory_space<hbm>> -> memref<1x128x128xf32, #tpu.memory_space<hbm>>
    %dma_start3A_183 = tpu.memref_squeeze %dma_start3A_182 : memref<1x128x128xf32, #tpu.memory_space<hbm>> -> memref<128x128xf32, #tpu.memory_space<hbm>>
    %dma_start3A_184 = arith.constant 0 : i32
    %dma_start3A_185 = tpu.memref_slice %arg5[%arg0, %add3A_180, %dma_start3A_184] : memref<2x10240x128xf32, #tpu.memory_space<hbm>> -> memref<1x128x128xf32, #tpu.memory_space<hbm>>
    %dma_start3A_186 = tpu.memref_squeeze %dma_start3A_185 : memref<1x128x128xf32, #tpu.memory_space<hbm>> -> memref<128x128xf32, #tpu.memory_space<hbm>>
    tpu.enqueue_dma source(%arg11 : memref<128x128xf32, #tpu.memory_space<vmem>>) target(%dma_start3A_186 : memref<128x128xf32, #tpu.memory_space<hbm>>) target_semaphore(%arg17 : memref<!tpu.dma_semaphore, #tpu.memory_space<semaphore_mem>>)
    %add3A_187 = arith.constant 128 : i32
    %add3A_188 = arith.addi %mul3A_2, %add3A_187 : i32
    %dma_wait3A_189 = arith.constant 0 : i32
    %dma_wait3A_190 = tpu.memref_slice %arg5[%arg0, %add3A_188, %dma_wait3A_189] : memref<2x10240x128xf32, #tpu.memory_space<hbm>> -> memref<1x128x128xf32, #tpu.memory_space<hbm>>
    %dma_wait3A_191 = tpu.memref_squeeze %dma_wait3A_190 : memref<1x128x128xf32, #tpu.memory_space<hbm>> -> memref<128x128xf32, #tpu.memory_space<hbm>>
    %dma_wait3A_192 = arith.constant 0 : i32
    %dma_wait3A_193 = tpu.memref_slice %arg5[%arg0, %add3A_188, %dma_wait3A_192] : memref<2x10240x128xf32, #tpu.memory_space<hbm>> -> memref<1x128x128xf32, #tpu.memory_space<hbm>>
    %dma_wait3A_194 = tpu.memref_squeeze %dma_wait3A_193 : memref<1x128x128xf32, #tpu.memory_space<hbm>> -> memref<128x128xf32, #tpu.memory_space<hbm>>
    tpu.wait_dma2 semaphore(%arg19 : memref<!tpu.dma_semaphore, #tpu.memory_space<semaphore_mem>>) src(%arg12 : memref<128x128xf32, #tpu.memory_space<vmem>>) dst(%dma_wait3A_194 : memref<128x128xf32, #tpu.memory_space<hbm>>)
    %add3A_195 = arith.constant 384 : i32
    %add3A_196 = arith.addi %mul3A_2, %add3A_195 : i32
    "tpu.region"() ({
      %run_scoped3A = tpu.sem_alloc : memref<!tpu.dma_semaphore, #tpu.memory_space<semaphore_mem>>
      %dma_start3A_361 = arith.constant 0 : i32
      %dma_start3A_362 = tpu.memref_slice %arg16[%add3A_196, %dma_start3A_361] : memref<10240x128xf32, #tpu.memory_space<vmem_shared>> -> memref<128x128xf32, #tpu.memory_space<vmem_shared>>
      %dma_start3A_363 = arith.constant 0 : i32
      %dma_start3A_364 = tpu.memref_slice %arg16[%add3A_196, %dma_start3A_363] : memref<10240x128xf32, #tpu.memory_space<vmem_shared>> -> memref<128x128xf32, #tpu.memory_space<vmem_shared>>
      tpu.enqueue_dma source(%dma_start3A_364 : memref<128x128xf32, #tpu.memory_space<vmem_shared>>) target(%arg12 : memref<128x128xf32, #tpu.memory_space<vmem>>) target_semaphore(%run_scoped3A : memref<!tpu.dma_semaphore, #tpu.memory_space<semaphore_mem>>)
      %dma_wait3A_365 = arith.constant 0 : i32
      %dma_wait3A_366 = tpu.memref_slice %arg16[%add3A_196, %dma_wait3A_365] : memref<10240x128xf32, #tpu.memory_space<vmem_shared>> -> memref<128x128xf32, #tpu.memory_space<vmem_shared>>
      %dma_wait3A_367 = arith.constant 0 : i32
      %dma_wait3A_368 = tpu.memref_slice %arg16[%add3A_196, %dma_wait3A_367] : memref<10240x128xf32, #tpu.memory_space<vmem_shared>> -> memref<128x128xf32, #tpu.memory_space<vmem_shared>>
      tpu.wait_dma2 semaphore(%run_scoped3A : memref<!tpu.dma_semaphore, #tpu.memory_space<semaphore_mem>>) src(%dma_wait3A_368 : memref<128x128xf32, #tpu.memory_space<vmem_shared>>) dst(%arg12 : memref<128x128xf32, #tpu.memory_space<vmem>>)
      tpu.yield
    }) : () -> ()
    %add3A_197 = arith.constant 384 : i32
    %add3A_198 = arith.addi %mul3A_2, %add3A_197 : i32
    %dma_start3A_199 = arith.constant 0 : i32
    %dma_start3A_200 = tpu.memref_slice %arg5[%arg0, %add3A_198, %dma_start3A_199] : memref<2x10240x128xf32, #tpu.memory_space<hbm>> -> memref<1x128x128xf32, #tpu.memory_space<hbm>>
    %dma_start3A_201 = tpu.memref_squeeze %dma_start3A_200 : memref<1x128x128xf32, #tpu.memory_space<hbm>> -> memref<128x128xf32, #tpu.memory_space<hbm>>
    %dma_start3A_202 = arith.constant 0 : i32
    %dma_start3A_203 = tpu.memref_slice %arg5[%arg0, %add3A_198, %dma_start3A_202] : memref<2x10240x128xf32, #tpu.memory_space<hbm>> -> memref<1x128x128xf32, #tpu.memory_space<hbm>>
    %dma_start3A_204 = tpu.memref_squeeze %dma_start3A_203 : memref<1x128x128xf32, #tpu.memory_space<hbm>> -> memref<128x128xf32, #tpu.memory_space<hbm>>
    tpu.enqueue_dma source(%arg12 : memref<128x128xf32, #tpu.memory_space<vmem>>) target(%dma_start3A_204 : memref<128x128xf32, #tpu.memory_space<hbm>>) target_semaphore(%arg19 : memref<!tpu.dma_semaphore, #tpu.memory_space<semaphore_mem>>)
    %add3A_205 = arith.constant 256 : i32
    %add3A_206 = arith.addi %mul3A_2, %add3A_205 : i32
    %dma_wait3A_207 = arith.constant 0 : i32
    %dma_wait3A_208 = tpu.memref_slice %arg5[%arg0, %add3A_206, %dma_wait3A_207] : memref<2x10240x128xf32, #tpu.memory_space<hbm>> -> memref<1x128x128xf32, #tpu.memory_space<hbm>>
    %dma_wait3A_209 = tpu.memref_squeeze %dma_wait3A_208 : memref<1x128x128xf32, #tpu.memory_space<hbm>> -> memref<128x128xf32, #tpu.memory_space<hbm>>
    %dma_wait3A_210 = arith.constant 0 : i32
    %dma_wait3A_211 = tpu.memref_slice %arg5[%arg0, %add3A_206, %dma_wait3A_210] : memref<2x10240x128xf32, #tpu.memory_space<hbm>> -> memref<1x128x128xf32, #tpu.memory_space<hbm>>
    %dma_wait3A_212 = tpu.memref_squeeze %dma_wait3A_211 : memref<1x128x128xf32, #tpu.memory_space<hbm>> -> memref<128x128xf32, #tpu.memory_space<hbm>>
    tpu.wait_dma2 semaphore(%arg17 : memref<!tpu.dma_semaphore, #tpu.memory_space<semaphore_mem>>) src(%arg11 : memref<128x128xf32, #tpu.memory_space<vmem>>) dst(%dma_wait3A_212 : memref<128x128xf32, #tpu.memory_space<hbm>>)
    %add3A_213 = arith.constant 512 : i32
    %add3A_214 = arith.addi %mul3A_2, %add3A_213 : i32
    "tpu.region"() ({
      %run_scoped3A = tpu.sem_alloc : memref<!tpu.dma_semaphore, #tpu.memory_space<semaphore_mem>>
      %dma_start3A_361 = arith.constant 0 : i32
      %dma_start3A_362 = tpu.memref_slice %arg16[%add3A_214, %dma_start3A_361] : memref<10240x128xf32, #tpu.memory_space<vmem_shared>> -> memref<128x128xf32, #tpu.memory_space<vmem_shared>>
      %dma_start3A_363 = arith.constant 0 : i32
      %dma_start3A_364 = tpu.memref_slice %arg16[%add3A_214, %dma_start3A_363] : memref<10240x128xf32, #tpu.memory_space<vmem_shared>> -> memref<128x128xf32, #tpu.memory_space<vmem_shared>>
      tpu.enqueue_dma source(%dma_start3A_364 : memref<128x128xf32, #tpu.memory_space<vmem_shared>>) target(%arg11 : memref<128x128xf32, #tpu.memory_space<vmem>>) target_semaphore(%run_scoped3A : memref<!tpu.dma_semaphore, #tpu.memory_space<semaphore_mem>>)
      %dma_wait3A_365 = arith.constant 0 : i32
      %dma_wait3A_366 = tpu.memref_slice %arg16[%add3A_214, %dma_wait3A_365] : memref<10240x128xf32, #tpu.memory_space<vmem_shared>> -> memref<128x128xf32, #tpu.memory_space<vmem_shared>>
      %dma_wait3A_367 = arith.constant 0 : i32
      %dma_wait3A_368 = tpu.memref_slice %arg16[%add3A_214, %dma_wait3A_367] : memref<10240x128xf32, #tpu.memory_space<vmem_shared>> -> memref<128x128xf32, #tpu.memory_space<vmem_shared>>
      tpu.wait_dma2 semaphore(%run_scoped3A : memref<!tpu.dma_semaphore, #tpu.memory_space<semaphore_mem>>) src(%dma_wait3A_368 : memref<128x128xf32, #tpu.memory_space<vmem_shared>>) dst(%arg11 : memref<128x128xf32, #tpu.memory_space<vmem>>)
      tpu.yield
    }) : () -> ()
    %add3A_215 = arith.constant 512 : i32
    %add3A_216 = arith.addi %mul3A_2, %add3A_215 : i32
    %dma_start3A_217 = arith.constant 0 : i32
    %dma_start3A_218 = tpu.memref_slice %arg5[%arg0, %add3A_216, %dma_start3A_217] : memref<2x10240x128xf32, #tpu.memory_space<hbm>> -> memref<1x128x128xf32, #tpu.memory_space<hbm>>
    %dma_start3A_219 = tpu.memref_squeeze %dma_start3A_218 : memref<1x128x128xf32, #tpu.memory_space<hbm>> -> memref<128x128xf32, #tpu.memory_space<hbm>>
    %dma_start3A_220 = arith.constant 0 : i32
    %dma_start3A_221 = tpu.memref_slice %arg5[%arg0, %add3A_216, %dma_start3A_220] : memref<2x10240x128xf32, #tpu.memory_space<hbm>> -> memref<1x128x128xf32, #tpu.memory_space<hbm>>
    %dma_start3A_222 = tpu.memref_squeeze %dma_start3A_221 : memref<1x128x128xf32, #tpu.memory_space<hbm>> -> memref<128x128xf32, #tpu.memory_space<hbm>>
    tpu.enqueue_dma source(%arg11 : memref<128x128xf32, #tpu.memory_space<vmem>>) target(%dma_start3A_222 : memref<128x128xf32, #tpu.memory_space<hbm>>) target_semaphore(%arg17 : memref<!tpu.dma_semaphore, #tpu.memory_space<semaphore_mem>>)
    %add3A_223 = arith.constant 384 : i32
    %add3A_224 = arith.addi %mul3A_2, %add3A_223 : i32
    %dma_wait3A_225 = arith.constant 0 : i32
    %dma_wait3A_226 = tpu.memref_slice %arg5[%arg0, %add3A_224, %dma_wait3A_225] : memref<2x10240x128xf32, #tpu.memory_space<hbm>> -> memref<1x128x128xf32, #tpu.memory_space<hbm>>
    %dma_wait3A_227 = tpu.memref_squeeze %dma_wait3A_226 : memref<1x128x128xf32, #tpu.memory_space<hbm>> -> memref<128x128xf32, #tpu.memory_space<hbm>>
    %dma_wait3A_228 = arith.constant 0 : i32
    %dma_wait3A_229 = tpu.memref_slice %arg5[%arg0, %add3A_224, %dma_wait3A_228] : memref<2x10240x128xf32, #tpu.memory_space<hbm>> -> memref<1x128x128xf32, #tpu.memory_space<hbm>>
    %dma_wait3A_230 = tpu.memref_squeeze %dma_wait3A_229 : memref<1x128x128xf32, #tpu.memory_space<hbm>> -> memref<128x128xf32, #tpu.memory_space<hbm>>
    tpu.wait_dma2 semaphore(%arg19 : memref<!tpu.dma_semaphore, #tpu.memory_space<semaphore_mem>>) src(%arg12 : memref<128x128xf32, #tpu.memory_space<vmem>>) dst(%dma_wait3A_230 : memref<128x128xf32, #tpu.memory_space<hbm>>)
    %add3A_231 = arith.constant 512 : i32
    %add3A_232 = arith.addi %mul3A_2, %add3A_231 : i32
    %dma_wait3A_233 = arith.constant 0 : i32
    %dma_wait3A_234 = tpu.memref_slice %arg5[%arg0, %add3A_232, %dma_wait3A_233] : memref<2x10240x128xf32, #tpu.memory_space<hbm>> -> memref<1x128x128xf32, #tpu.memory_space<hbm>>
    %dma_wait3A_235 = tpu.memref_squeeze %dma_wait3A_234 : memref<1x128x128xf32, #tpu.memory_space<hbm>> -> memref<128x128xf32, #tpu.memory_space<hbm>>
    %dma_wait3A_236 = arith.constant 0 : i32
    %dma_wait3A_237 = tpu.memref_slice %arg5[%arg0, %add3A_232, %dma_wait3A_236] : memref<2x10240x128xf32, #tpu.memory_space<hbm>> -> memref<1x128x128xf32, #tpu.memory_space<hbm>>
    %dma_wait3A_238 = tpu.memref_squeeze %dma_wait3A_237 : memref<1x128x128xf32, #tpu.memory_space<hbm>> -> memref<128x128xf32, #tpu.memory_space<hbm>>
    tpu.wait_dma2 semaphore(%arg17 : memref<!tpu.dma_semaphore, #tpu.memory_space<semaphore_mem>>) src(%arg11 : memref<128x128xf32, #tpu.memory_space<vmem>>) dst(%dma_wait3A_238 : memref<128x128xf32, #tpu.memory_space<hbm>>)
    %scan3A_239 = arith.constant 0 : i32
    %scan3A_240 = arith.constant 0 : i32
    %scan3A_241 = arith.constant 128 : i32
    %scan3A_242 = arith.addi %scan3A_240, %scan3A_241 : i32
    %scan3A_243 = arith.constant 1 : i32
    scf.for %scan3A_361 = %scan3A_240 to %scan3A_242 step %scan3A_243  : i32 {
      %scan3A_362 = arith.constant 0 : i32
      %scan3A_363 = arith.constant 0 : i32
      %scan3A_364 = arith.constant 8 : i32
      %scan3A_365 = arith.addi %scan3A_363, %scan3A_364 : i32
      %scan3A_366 = arith.constant 1 : i32
      scf.for %scan3A_368 = %scan3A_363 to %scan3A_365 step %scan3A_366  : i32 {
        %broadcast_in_dim3A = arith.constant 1.000000e+00 : f32
        %broadcast_in_dim3A_369 = vector.broadcast %broadcast_in_dim3A : f32 to vector<16xf32>
        %mul3A_370 = arith.constant 16 : i32
        %mul3A_371 = arith.muli %scan3A_368, %mul3A_370 : i32
        %swap3A = arith.index_cast %scan3A_361 : i32 to index
        %swap3A_372 = arith.index_cast %mul3A_371 : i32 to index
        %swap3A_373 = tpu.vector_load %arg12[%swap3A, %swap3A_372] {strides = array<i32>} : memref<128x128xf32, #tpu.memory_space<vmem>>, vector<1x16xf32>,
        %swap3A_374 = vector.shape_cast %swap3A_373 : vector<1x16xf32> to vector<16xf32>
        %swap3A_375 = vector.shape_cast %broadcast_in_dim3A_369 : vector<16xf32> to vector<1x16xf32>
        tpu.vector_store %arg12[%swap3A, %swap3A_372], %swap3A_375 {strides = array<i32>} : memref<128x128xf32, #tpu.memory_space<vmem>>, vector<1x16xf32>,
      }
      %scan3A_367 = arith.constant 8 : i32
    }
    %scan3A_244 = arith.constant 128 : i32
    %barrier3A_245 = arith.constant 0 : index
    tpu.barrier barrier_id(%barrier3A_245)
    %mul3A_246 = arith.constant 128 : i32
    %mul3A_247 = arith.muli %mul3A_4, %mul3A_246 : i32
    %dma_wait3A_248 = tpu.memref_slice %arg4[%mul3A_247] : memref<320000xi32, #tpu.memory_space<hbm>> -> memref<128xi32, #tpu.memory_space<hbm>>
    %dma_wait3A_249 = tpu.memref_slice %arg4[%mul3A_247] : memref<320000xi32, #tpu.memory_space<hbm>> -> memref<128xi32, #tpu.memory_space<hbm>>
    tpu.wait_dma2 semaphore(%arg21 : memref<!tpu.dma_semaphore, #tpu.memory_space<semaphore_mem>>) src(%dma_wait3A_249 : memref<128xi32, #tpu.memory_space<hbm>>) dst(%arg9 : memref<128xi32, #tpu.memory_space<vmem>>)
    %scan3A_250 = arith.constant 0 : i32
    %scan3A_251 = arith.constant 0 : i32
    %scan3A_252 = arith.constant 38 : i32
    %scan3A_253 = arith.addi %scan3A_251, %scan3A_252 : i32
    %scan3A_254 = arith.constant 1 : i32
    scf.for %scan3A_361 = %scan3A_251 to %scan3A_253 step %scan3A_254  : i32 {
      %mul3A_362 = arith.constant 2 : i32
      %mul3A_363 = arith.muli %scan3A_361, %mul3A_362 : i32
      %add3A_364 = arith.addi %mul3A_4, %mul3A_363 : i32
      %add3A_365 = arith.constant 1 : i32
      %add3A_366 = arith.addi %add3A_364, %add3A_365 : i32
      %mul3A_367 = arith.constant 128 : i32
      %mul3A_368 = arith.muli %add3A_366, %mul3A_367 : i32
      %dma_wait3A_369 = tpu.memref_slice %arg4[%mul3A_368] : memref<320000xi32, #tpu.memory_space<hbm>> -> memref<128xi32, #tpu.memory_space<hbm>>
      %dma_wait3A_370 = tpu.memref_slice %arg4[%mul3A_368] : memref<320000xi32, #tpu.memory_space<hbm>> -> memref<128xi32, #tpu.memory_space<hbm>>
      tpu.wait_dma2 semaphore(%arg21 : memref<!tpu.dma_semaphore, #tpu.memory_space<semaphore_mem>>) src(%dma_wait3A_370 : memref<128xi32, #tpu.memory_space<hbm>>) dst(%arg10 : memref<128xi32, #tpu.memory_space<vmem>>)
      "tpu.region"() ({
        %run_scoped3A = tpu.sem_alloc : memref<!tpu.dma_semaphore, #tpu.memory_space<semaphore_mem>>
        %dma_start3A_394 = arith.constant 0 : i32
        %dma_start3A_395 = arith.constant 0 : i32
        %dma_start3A_396 = tpu.memref_slice %arg16[%dma_start3A_394, %dma_start3A_395] : memref<10240x128xf32, #tpu.memory_space<vmem_shared>> -> memref<10240x128xf32, #tpu.memory_space<vmem_shared>>
        tpu.enqueue_indirect_dma source(%arg12 : memref<128x128xf32, #tpu.memory_space<vmem>>) target(%dma_start3A_396 : memref<10240x128xf32, #tpu.memory_space<vmem_shared>>) offsets(%arg9 : memref<128xi32, #tpu.memory_space<vmem>>) semaphore(%run_scoped3A : memref<!tpu.dma_semaphore, #tpu.memory_space<semaphore_mem>>) {add = true}
        %dma_wait3A_397 = arith.constant 0 : i32
        %dma_wait3A_398 = arith.constant 0 : i32
        %dma_wait3A_399 = tpu.memref_slice %arg16[%dma_wait3A_397, %dma_wait3A_398] : memref<10240x128xf32, #tpu.memory_space<vmem_shared>> -> memref<10240x128xf32, #tpu.memory_space<vmem_shared>>
        tpu.wait_indirect_dma semaphore(%run_scoped3A : memref<!tpu.dma_semaphore, #tpu.memory_space<semaphore_mem>>) src(%arg12 : memref<128x128xf32, #tpu.memory_space<vmem>>) dst(%dma_wait3A_399 : memref<10240x128xf32, #tpu.memory_space<vmem_shared>>)
        tpu.yield
      }) : () -> ()
      %add3A_371 = arith.addi %mul3A_4, %mul3A_363 : i32
      %add3A_372 = arith.constant 2 : i32
      %add3A_373 = arith.addi %add3A_371, %add3A_372 : i32
      %mul3A_374 = arith.constant 128 : i32
      %mul3A_375 = arith.muli %add3A_373, %mul3A_374 : i32
      %dma_start3A_376 = tpu.memref_slice %arg4[%mul3A_375] : memref<320000xi32, #tpu.memory_space<hbm>> -> memref<128xi32, #tpu.memory_space<hbm>>
      %dma_start3A_377 = tpu.memref_slice %arg4[%mul3A_375] : memref<320000xi32, #tpu.memory_space<hbm>> -> memref<128xi32, #tpu.memory_space<hbm>>
      tpu.enqueue_dma source(%dma_start3A_377 : memref<128xi32, #tpu.memory_space<hbm>>) target(%arg9 : memref<128xi32, #tpu.memory_space<vmem>>) target_semaphore(%arg21 : memref<!tpu.dma_semaphore, #tpu.memory_space<semaphore_mem>>)
      %add3A_378 = arith.constant 1 : i32
      %add3A_379 = arith.addi %mul3A_363, %add3A_378 : i32
      %add3A_380 = arith.addi %mul3A_4, %add3A_379 : i32
      %add3A_381 = arith.constant 1 : i32
      %add3A_382 = arith.addi %add3A_380, %add3A_381 : i32
      %mul3A_383 = arith.constant 128 : i32
      %mul3A_384 = arith.muli %add3A_382, %mul3A_383 : i32
      %dma_wait3A_385 = tpu.memref_slice %arg4[%mul3A_384] : memref<320000xi32, #tpu.memory_space<hbm>> -> memref<128xi32, #tpu.memory_space<hbm>>
      %dma_wait3A_386 = tpu.memref_slice %arg4[%mul3A_384] : memref<320000xi32, #tpu.memory_space<hbm>> -> memref<128xi32, #tpu.memory_space<hbm>>
      tpu.wait_dma2 semaphore(%arg21 : memref<!tpu.dma_semaphore, #tpu.memory_space<semaphore_mem>>) src(%dma_wait3A_386 : memref<128xi32, #tpu.memory_space<hbm>>) dst(%arg9 : memref<128xi32, #tpu.memory_space<vmem>>)
      "tpu.region"() ({
        %run_scoped3A = tpu.sem_alloc : memref<!tpu.dma_semaphore, #tpu.memory_space<semaphore_mem>>
        %dma_start3A_394 = arith.constant 0 : i32
        %dma_start3A_395 = arith.constant 0 : i32
        %dma_start3A_396 = tpu.memref_slice %arg16[%dma_start3A_394, %dma_start3A_395] : memref<10240x128xf32, #tpu.memory_space<vmem_shared>> -> memref<10240x128xf32, #tpu.memory_space<vmem_shared>>
        tpu.enqueue_indirect_dma source(%arg12 : memref<128x128xf32, #tpu.memory_space<vmem>>) target(%dma_start3A_396 : memref<10240x128xf32, #tpu.memory_space<vmem_shared>>) offsets(%arg10 : memref<128xi32, #tpu.memory_space<vmem>>) semaphore(%run_scoped3A : memref<!tpu.dma_semaphore, #tpu.memory_space<semaphore_mem>>) {add = true}
        %dma_wait3A_397 = arith.constant 0 : i32
        %dma_wait3A_398 = arith.constant 0 : i32
        %dma_wait3A_399 = tpu.memref_slice %arg16[%dma_wait3A_397, %dma_wait3A_398] : memref<10240x128xf32, #tpu.memory_space<vmem_shared>> -> memref<10240x128xf32, #tpu.memory_space<vmem_shared>>
        tpu.wait_indirect_dma semaphore(%run_scoped3A : memref<!tpu.dma_semaphore, #tpu.memory_space<semaphore_mem>>) src(%arg12 : memref<128x128xf32, #tpu.memory_space<vmem>>) dst(%dma_wait3A_399 : memref<10240x128xf32, #tpu.memory_space<vmem_shared>>)
        tpu.yield
      }) : () -> ()
      %add3A_387 = arith.addi %mul3A_4, %add3A_379 : i32
      %add3A_388 = arith.constant 2 : i32
      %add3A_389 = arith.addi %add3A_387, %add3A_388 : i32
      %mul3A_390 = arith.constant 128 : i32
      %mul3A_391 = arith.muli %add3A_389, %mul3A_390 : i32
      %dma_start3A_392 = tpu.memref_slice %arg4[%mul3A_391] : memref<320000xi32, #tpu.memory_space<hbm>> -> memref<128xi32, #tpu.memory_space<hbm>>
      %dma_start3A_393 = tpu.memref_slice %arg4[%mul3A_391] : memref<320000xi32, #tpu.memory_space<hbm>> -> memref<128xi32, #tpu.memory_space<hbm>>
      tpu.enqueue_dma source(%dma_start3A_393 : memref<128xi32, #tpu.memory_space<hbm>>) target(%arg10 : memref<128xi32, #tpu.memory_space<vmem>>) target_semaphore(%arg21 : memref<!tpu.dma_semaphore, #tpu.memory_space<semaphore_mem>>)
    }
    %scan3A_255 = arith.constant 38 : i32
    %add3A_256 = arith.constant 76 : i32
    %add3A_257 = arith.addi %mul3A_4, %add3A_256 : i32
    %add3A_258 = arith.constant 1 : i32
    %add3A_259 = arith.addi %add3A_257, %add3A_258 : i32
    %mul3A_260 = arith.constant 128 : i32
    %mul3A_261 = arith.muli %add3A_259, %mul3A_260 : i32
    %dma_wait3A_262 = tpu.memref_slice %arg4[%mul3A_261] : memref<320000xi32, #tpu.memory_space<hbm>> -> memref<128xi32, #tpu.memory_space<hbm>>
    %dma_wait3A_263 = tpu.memref_slice %arg4[%mul3A_261] : memref<320000xi32, #tpu.memory_space<hbm>> -> memref<128xi32, #tpu.memory_space<hbm>>
    tpu.wait_dma2 semaphore(%arg21 : memref<!tpu.dma_semaphore, #tpu.memory_space<semaphore_mem>>) src(%dma_wait3A_263 : memref<128xi32, #tpu.memory_space<hbm>>) dst(%arg10 : memref<128xi32, #tpu.memory_space<vmem>>)
    "tpu.region"() ({
      %run_scoped3A = tpu.sem_alloc : memref<!tpu.dma_semaphore, #tpu.memory_space<semaphore_mem>>
      %dma_start3A_361 = arith.constant 0 : i32
      %dma_start3A_362 = arith.constant 0 : i32
      %dma_start3A_363 = tpu.memref_slice %arg16[%dma_start3A_361, %dma_start3A_362] : memref<10240x128xf32, #tpu.memory_space<vmem_shared>> -> memref<10240x128xf32, #tpu.memory_space<vmem_shared>>
      tpu.enqueue_indirect_dma source(%arg12 : memref<128x128xf32, #tpu.memory_space<vmem>>) target(%dma_start3A_363 : memref<10240x128xf32, #tpu.memory_space<vmem_shared>>) offsets(%arg9 : memref<128xi32, #tpu.memory_space<vmem>>) semaphore(%run_scoped3A : memref<!tpu.dma_semaphore, #tpu.memory_space<semaphore_mem>>) {add = true}
      %dma_wait3A_364 = arith.constant 0 : i32
      %dma_wait3A_365 = arith.constant 0 : i32
      %dma_wait3A_366 = tpu.memref_slice %arg16[%dma_wait3A_364, %dma_wait3A_365] : memref<10240x128xf32, #tpu.memory_space<vmem_shared>> -> memref<10240x128xf32, #tpu.memory_space<vmem_shared>>
      tpu.wait_indirect_dma semaphore(%run_scoped3A : memref<!tpu.dma_semaphore, #tpu.memory_space<semaphore_mem>>) src(%arg12 : memref<128x128xf32, #tpu.memory_space<vmem>>) dst(%dma_wait3A_366 : memref<10240x128xf32, #tpu.memory_space<vmem_shared>>)
      tpu.yield
    }) : () -> ()
    "tpu.region"() ({
      %run_scoped3A = tpu.sem_alloc : memref<!tpu.dma_semaphore, #tpu.memory_space<semaphore_mem>>
      %dma_start3A_361 = arith.constant 0 : i32
      %dma_start3A_362 = arith.constant 0 : i32
      %dma_start3A_363 = tpu.memref_slice %arg16[%dma_start3A_361, %dma_start3A_362] : memref<10240x128xf32, #tpu.memory_space<vmem_shared>> -> memref<10240x128xf32, #tpu.memory_space<vmem_shared>>
      tpu.enqueue_indirect_dma source(%arg12 : memref<128x128xf32, #tpu.memory_space<vmem>>) target(%dma_start3A_363 : memref<10240x128xf32, #tpu.memory_space<vmem_shared>>) offsets(%arg10 : memref<128xi32, #tpu.memory_space<vmem>>) semaphore(%run_scoped3A : memref<!tpu.dma_semaphore, #tpu.memory_space<semaphore_mem>>) {add = true}
      %dma_wait3A_364 = arith.constant 0 : i32
      %dma_wait3A_365 = arith.constant 0 : i32
      %dma_wait3A_366 = tpu.memref_slice %arg16[%dma_wait3A_364, %dma_wait3A_365] : memref<10240x128xf32, #tpu.memory_space<vmem_shared>> -> memref<10240x128xf32, #tpu.memory_space<vmem_shared>>
      tpu.wait_indirect_dma semaphore(%run_scoped3A : memref<!tpu.dma_semaphore, #tpu.memory_space<semaphore_mem>>) src(%arg12 : memref<128x128xf32, #tpu.memory_space<vmem>>) dst(%dma_wait3A_366 : memref<10240x128xf32, #tpu.memory_space<vmem_shared>>)
      tpu.yield
    }) : () -> ()
    "tpu.region"() ({
      %run_scoped3A = tpu.sem_alloc : memref<!tpu.dma_semaphore, #tpu.memory_space<semaphore_mem>>
      %dma_start3A_361 = tpu.memref_slice %arg4[%add3A_60] : memref<320000xi32, #tpu.memory_space<hbm>> -> memref<16xi32, #tpu.memory_space<hbm>>
      %dma_start3A_362 = tpu.memref_slice %arg4[%add3A_60] : memref<320000xi32, #tpu.memory_space<hbm>> -> memref<16xi32, #tpu.memory_space<hbm>>
      tpu.enqueue_dma source(%dma_start3A_362 : memref<16xi32, #tpu.memory_space<hbm>>) target(%arg14 : memref<16xi32, #tpu.memory_space<vmem>>) target_semaphore(%run_scoped3A : memref<!tpu.dma_semaphore, #tpu.memory_space<semaphore_mem>>)
      %dma_wait3A_363 = tpu.memref_slice %arg4[%add3A_60] : memref<320000xi32, #tpu.memory_space<hbm>> -> memref<16xi32, #tpu.memory_space<hbm>>
      %dma_wait3A_364 = tpu.memref_slice %arg4[%add3A_60] : memref<320000xi32, #tpu.memory_space<hbm>> -> memref<16xi32, #tpu.memory_space<hbm>>
      tpu.wait_dma2 semaphore(%run_scoped3A : memref<!tpu.dma_semaphore, #tpu.memory_space<semaphore_mem>>) src(%dma_wait3A_364 : memref<16xi32, #tpu.memory_space<hbm>>) dst(%arg14 : memref<16xi32, #tpu.memory_space<vmem>>)
      tpu.yield
    }) : () -> ()
    %scan3A_264 = arith.constant 0 : i32
    %scan3A_265 = arith.constant 0 : i32
    %scan3A_266 = arith.constant 16 : i32
    %scan3A_267 = arith.addi %scan3A_265, %scan3A_266 : i32
    %scan3A_268 = arith.constant 1 : i32
    scf.for %scan3A_361 = %scan3A_265 to %scan3A_267 step %scan3A_268  : i32 {
      %scan3A_362 = arith.constant 0 : i32
      %scan3A_363 = arith.constant 0 : i32
      %scan3A_364 = arith.constant 8 : i32
      %scan3A_365 = arith.addi %scan3A_363, %scan3A_364 : i32
      %scan3A_366 = arith.constant 1 : i32
      scf.for %scan3A_368 = %scan3A_363 to %scan3A_365 step %scan3A_366  : i32 {
        %broadcast_in_dim3A = arith.constant 1.000000e+00 : f32
        %broadcast_in_dim3A_369 = vector.broadcast %broadcast_in_dim3A : f32 to vector<16xf32>
        %mul3A_370 = arith.constant 16 : i32
        %mul3A_371 = arith.muli %scan3A_368, %mul3A_370 : i32
        %swap3A = arith.index_cast %scan3A_361 : i32 to index
        %swap3A_372 = arith.index_cast %mul3A_371 : i32 to index
        %swap3A_373 = tpu.vector_load %arg15[%swap3A, %swap3A_372] {strides = array<i32>} : memref<16x128xf32, #tpu.memory_space<vmem>>, vector<1x16xf32>,
        %swap3A_374 = vector.shape_cast %swap3A_373 : vector<1x16xf32> to vector<16xf32>
        %swap3A_375 = vector.shape_cast %broadcast_in_dim3A_369 : vector<16xf32> to vector<1x16xf32>
        tpu.vector_store %arg15[%swap3A, %swap3A_372], %swap3A_375 {strides = array<i32>} : memref<16x128xf32, #tpu.memory_space<vmem>>, vector<1x16xf32>,
      }
      %scan3A_367 = arith.constant 8 : i32
    }
    %scan3A_269 = arith.constant 16 : i32
    "tpu.region"() ({
      %run_scoped3A = tpu.sem_alloc : memref<!tpu.dma_semaphore, #tpu.memory_space<semaphore_mem>>
      %dma_start3A_361 = arith.constant 0 : i32
      %dma_start3A_362 = arith.constant 0 : i32
      %dma_start3A_363 = tpu.memref_slice %arg16[%dma_start3A_361, %dma_start3A_362] : memref<10240x128xf32, #tpu.memory_space<vmem_shared>> -> memref<10240x128xf32, #tpu.memory_space<vmem_shared>>
      tpu.enqueue_indirect_dma source(%arg15 : memref<16x128xf32, #tpu.memory_space<vmem>>) target(%dma_start3A_363 : memref<10240x128xf32, #tpu.memory_space<vmem_shared>>) offsets(%arg14 : memref<16xi32, #tpu.memory_space<vmem>>) semaphore(%run_scoped3A : memref<!tpu.dma_semaphore, #tpu.memory_space<semaphore_mem>>) {add = true}
      %dma_wait3A_364 = arith.constant 0 : i32
      %dma_wait3A_365 = arith.constant 0 : i32
      %dma_wait3A_366 = tpu.memref_slice %arg16[%dma_wait3A_364, %dma_wait3A_365] : memref<10240x128xf32, #tpu.memory_space<vmem_shared>> -> memref<10240x128xf32, #tpu.memory_space<vmem_shared>>
      tpu.wait_indirect_dma semaphore(%run_scoped3A : memref<!tpu.dma_semaphore, #tpu.memory_space<semaphore_mem>>) src(%arg15 : memref<16x128xf32, #tpu.memory_space<vmem>>) dst(%dma_wait3A_366 : memref<10240x128xf32, #tpu.memory_space<vmem_shared>>)
      tpu.yield
    }) : () -> ()
    %barrier3A_270 = arith.constant 0 : index
    tpu.barrier barrier_id(%barrier3A_270)
    %add3A_271 = arith.constant 0 : i32
    %add3A_272 = arith.addi %mul3A_2, %add3A_271 : i32
    "tpu.region"() ({
      %run_scoped3A = tpu.sem_alloc : memref<!tpu.dma_semaphore, #tpu.memory_space<semaphore_mem>>
      %dma_start3A_361 = arith.constant 0 : i32
      %dma_start3A_362 = tpu.memref_slice %arg16[%add3A_272, %dma_start3A_361] : memref<10240x128xf32, #tpu.memory_space<vmem_shared>> -> memref<128x128xf32, #tpu.memory_space<vmem_shared>>
      %dma_start3A_363 = arith.constant 0 : i32
      %dma_start3A_364 = tpu.memref_slice %arg16[%add3A_272, %dma_start3A_363] : memref<10240x128xf32, #tpu.memory_space<vmem_shared>> -> memref<128x128xf32, #tpu.memory_space<vmem_shared>>
      tpu.enqueue_dma source(%dma_start3A_364 : memref<128x128xf32, #tpu.memory_space<vmem_shared>>) target(%arg11 : memref<128x128xf32, #tpu.memory_space<vmem>>) target_semaphore(%run_scoped3A : memref<!tpu.dma_semaphore, #tpu.memory_space<semaphore_mem>>)
      %dma_wait3A_365 = arith.constant 0 : i32
      %dma_wait3A_366 = tpu.memref_slice %arg16[%add3A_272, %dma_wait3A_365] : memref<10240x128xf32, #tpu.memory_space<vmem_shared>> -> memref<128x128xf32, #tpu.memory_space<vmem_shared>>
      %dma_wait3A_367 = arith.constant 0 : i32
      %dma_wait3A_368 = tpu.memref_slice %arg16[%add3A_272, %dma_wait3A_367] : memref<10240x128xf32, #tpu.memory_space<vmem_shared>> -> memref<128x128xf32, #tpu.memory_space<vmem_shared>>
      tpu.wait_dma2 semaphore(%run_scoped3A : memref<!tpu.dma_semaphore, #tpu.memory_space<semaphore_mem>>) src(%dma_wait3A_368 : memref<128x128xf32, #tpu.memory_space<vmem_shared>>) dst(%arg11 : memref<128x128xf32, #tpu.memory_space<vmem>>)
      tpu.yield
    }) : () -> ()
    %add3A_273 = arith.constant 0 : i32
    %add3A_274 = arith.addi %mul3A_2, %add3A_273 : i32
    %dma_start3A_275 = arith.constant 0 : i32
    %dma_start3A_276 = tpu.memref_slice %arg6[%arg0, %add3A_274, %dma_start3A_275] : memref<2x10240x128xf32, #tpu.memory_space<hbm>> -> memref<1x128x128xf32, #tpu.memory_space<hbm>>
    %dma_start3A_277 = tpu.memref_squeeze %dma_start3A_276 : memref<1x128x128xf32, #tpu.memory_space<hbm>> -> memref<128x128xf32, #tpu.memory_space<hbm>>
    %dma_start3A_278 = arith.constant 0 : i32
    %dma_start3A_279 = tpu.memref_slice %arg6[%arg0, %add3A_274, %dma_start3A_278] : memref<2x10240x128xf32, #tpu.memory_space<hbm>> -> memref<1x128x128xf32, #tpu.memory_space<hbm>>
    %dma_start3A_280 = tpu.memref_squeeze %dma_start3A_279 : memref<1x128x128xf32, #tpu.memory_space<hbm>> -> memref<128x128xf32, #tpu.memory_space<hbm>>
    tpu.enqueue_dma source(%arg11 : memref<128x128xf32, #tpu.memory_space<vmem>>) target(%dma_start3A_280 : memref<128x128xf32, #tpu.memory_space<hbm>>) target_semaphore(%arg17 : memref<!tpu.dma_semaphore, #tpu.memory_space<semaphore_mem>>)
    %add3A_281 = arith.constant 128 : i32
    %add3A_282 = arith.addi %mul3A_2, %add3A_281 : i32
    "tpu.region"() ({
      %run_scoped3A = tpu.sem_alloc : memref<!tpu.dma_semaphore, #tpu.memory_space<semaphore_mem>>
      %dma_start3A_361 = arith.constant 0 : i32
      %dma_start3A_362 = tpu.memref_slice %arg16[%add3A_282, %dma_start3A_361] : memref<10240x128xf32, #tpu.memory_space<vmem_shared>> -> memref<128x128xf32, #tpu.memory_space<vmem_shared>>
      %dma_start3A_363 = arith.constant 0 : i32
      %dma_start3A_364 = tpu.memref_slice %arg16[%add3A_282, %dma_start3A_363] : memref<10240x128xf32, #tpu.memory_space<vmem_shared>> -> memref<128x128xf32, #tpu.memory_space<vmem_shared>>
      tpu.enqueue_dma source(%dma_start3A_364 : memref<128x128xf32, #tpu.memory_space<vmem_shared>>) target(%arg12 : memref<128x128xf32, #tpu.memory_space<vmem>>) target_semaphore(%run_scoped3A : memref<!tpu.dma_semaphore, #tpu.memory_space<semaphore_mem>>)
      %dma_wait3A_365 = arith.constant 0 : i32
      %dma_wait3A_366 = tpu.memref_slice %arg16[%add3A_282, %dma_wait3A_365] : memref<10240x128xf32, #tpu.memory_space<vmem_shared>> -> memref<128x128xf32, #tpu.memory_space<vmem_shared>>
      %dma_wait3A_367 = arith.constant 0 : i32
      %dma_wait3A_368 = tpu.memref_slice %arg16[%add3A_282, %dma_wait3A_367] : memref<10240x128xf32, #tpu.memory_space<vmem_shared>> -> memref<128x128xf32, #tpu.memory_space<vmem_shared>>
      tpu.wait_dma2 semaphore(%run_scoped3A : memref<!tpu.dma_semaphore, #tpu.memory_space<semaphore_mem>>) src(%dma_wait3A_368 : memref<128x128xf32, #tpu.memory_space<vmem_shared>>) dst(%arg12 : memref<128x128xf32, #tpu.memory_space<vmem>>)
      tpu.yield
    }) : () -> ()
    %add3A_283 = arith.constant 128 : i32
    %add3A_284 = arith.addi %mul3A_2, %add3A_283 : i32
    %dma_start3A_285 = arith.constant 0 : i32
    %dma_start3A_286 = tpu.memref_slice %arg6[%arg0, %add3A_284, %dma_start3A_285] : memref<2x10240x128xf32, #tpu.memory_space<hbm>> -> memref<1x128x128xf32, #tpu.memory_space<hbm>>
    %dma_start3A_287 = tpu.memref_squeeze %dma_start3A_286 : memref<1x128x128xf32, #tpu.memory_space<hbm>> -> memref<128x128xf32, #tpu.memory_space<hbm>>
    %dma_start3A_288 = arith.constant 0 : i32
    %dma_start3A_289 = tpu.memref_slice %arg6[%arg0, %add3A_284, %dma_start3A_288] : memref<2x10240x128xf32, #tpu.memory_space<hbm>> -> memref<1x128x128xf32, #tpu.memory_space<hbm>>
    %dma_start3A_290 = tpu.memref_squeeze %dma_start3A_289 : memref<1x128x128xf32, #tpu.memory_space<hbm>> -> memref<128x128xf32, #tpu.memory_space<hbm>>
    tpu.enqueue_dma source(%arg12 : memref<128x128xf32, #tpu.memory_space<vmem>>) target(%dma_start3A_290 : memref<128x128xf32, #tpu.memory_space<hbm>>) target_semaphore(%arg19 : memref<!tpu.dma_semaphore, #tpu.memory_space<semaphore_mem>>)
    %add3A_291 = arith.constant 0 : i32
    %add3A_292 = arith.addi %mul3A_2, %add3A_291 : i32
    %dma_wait3A_293 = arith.constant 0 : i32
    %dma_wait3A_294 = tpu.memref_slice %arg6[%arg0, %add3A_292, %dma_wait3A_293] : memref<2x10240x128xf32, #tpu.memory_space<hbm>> -> memref<1x128x128xf32, #tpu.memory_space<hbm>>
    %dma_wait3A_295 = tpu.memref_squeeze %dma_wait3A_294 : memref<1x128x128xf32, #tpu.memory_space<hbm>> -> memref<128x128xf32, #tpu.memory_space<hbm>>
    %dma_wait3A_296 = arith.constant 0 : i32
    %dma_wait3A_297 = tpu.memref_slice %arg6[%arg0, %add3A_292, %dma_wait3A_296] : memref<2x10240x128xf32, #tpu.memory_space<hbm>> -> memref<1x128x128xf32, #tpu.memory_space<hbm>>
    %dma_wait3A_298 = tpu.memref_squeeze %dma_wait3A_297 : memref<1x128x128xf32, #tpu.memory_space<hbm>> -> memref<128x128xf32, #tpu.memory_space<hbm>>
    tpu.wait_dma2 semaphore(%arg17 : memref<!tpu.dma_semaphore, #tpu.memory_space<semaphore_mem>>) src(%arg11 : memref<128x128xf32, #tpu.memory_space<vmem>>) dst(%dma_wait3A_298 : memref<128x128xf32, #tpu.memory_space<hbm>>)
    %add3A_299 = arith.constant 256 : i32
    %add3A_300 = arith.addi %mul3A_2, %add3A_299 : i32
    "tpu.region"() ({
      %run_scoped3A = tpu.sem_alloc : memref<!tpu.dma_semaphore, #tpu.memory_space<semaphore_mem>>
      %dma_start3A_361 = arith.constant 0 : i32
      %dma_start3A_362 = tpu.memref_slice %arg16[%add3A_300, %dma_start3A_361] : memref<10240x128xf32, #tpu.memory_space<vmem_shared>> -> memref<128x128xf32, #tpu.memory_space<vmem_shared>>
      %dma_start3A_363 = arith.constant 0 : i32
      %dma_start3A_364 = tpu.memref_slice %arg16[%add3A_300, %dma_start3A_363] : memref<10240x128xf32, #tpu.memory_space<vmem_shared>> -> memref<128x128xf32, #tpu.memory_space<vmem_shared>>
      tpu.enqueue_dma source(%dma_start3A_364 : memref<128x128xf32, #tpu.memory_space<vmem_shared>>) target(%arg11 : memref<128x128xf32, #tpu.memory_space<vmem>>) target_semaphore(%run_scoped3A : memref<!tpu.dma_semaphore, #tpu.memory_space<semaphore_mem>>)
      %dma_wait3A_365 = arith.constant 0 : i32
      %dma_wait3A_366 = tpu.memref_slice %arg16[%add3A_300, %dma_wait3A_365] : memref<10240x128xf32, #tpu.memory_space<vmem_shared>> -> memref<128x128xf32, #tpu.memory_space<vmem_shared>>
      %dma_wait3A_367 = arith.constant 0 : i32
      %dma_wait3A_368 = tpu.memref_slice %arg16[%add3A_300, %dma_wait3A_367] : memref<10240x128xf32, #tpu.memory_space<vmem_shared>> -> memref<128x128xf32, #tpu.memory_space<vmem_shared>>
      tpu.wait_dma2 semaphore(%run_scoped3A : memref<!tpu.dma_semaphore, #tpu.memory_space<semaphore_mem>>) src(%dma_wait3A_368 : memref<128x128xf32, #tpu.memory_space<vmem_shared>>) dst(%arg11 : memref<128x128xf32, #tpu.memory_space<vmem>>)
      tpu.yield
    }) : () -> ()
    %add3A_301 = arith.constant 256 : i32
    %add3A_302 = arith.addi %mul3A_2, %add3A_301 : i32
    %dma_start3A_303 = arith.constant 0 : i32
    %dma_start3A_304 = tpu.memref_slice %arg6[%arg0, %add3A_302, %dma_start3A_303] : memref<2x10240x128xf32, #tpu.memory_space<hbm>> -> memref<1x128x128xf32, #tpu.memory_space<hbm>>
    %dma_start3A_305 = tpu.memref_squeeze %dma_start3A_304 : memref<1x128x128xf32, #tpu.memory_space<hbm>> -> memref<128x128xf32, #tpu.memory_space<hbm>>
    %dma_start3A_306 = arith.constant 0 : i32
    %dma_start3A_307 = tpu.memref_slice %arg6[%arg0, %add3A_302, %dma_start3A_306] : memref<2x10240x128xf32, #tpu.memory_space<hbm>> -> memref<1x128x128xf32, #tpu.memory_space<hbm>>
    %dma_start3A_308 = tpu.memref_squeeze %dma_start3A_307 : memref<1x128x128xf32, #tpu.memory_space<hbm>> -> memref<128x128xf32, #tpu.memory_space<hbm>>
    tpu.enqueue_dma source(%arg11 : memref<128x128xf32, #tpu.memory_space<vmem>>) target(%dma_start3A_308 : memref<128x128xf32, #tpu.memory_space<hbm>>) target_semaphore(%arg17 : memref<!tpu.dma_semaphore, #tpu.memory_space<semaphore_mem>>)
    %add3A_309 = arith.constant 128 : i32
    %add3A_310 = arith.addi %mul3A_2, %add3A_309 : i32
    %dma_wait3A_311 = arith.constant 0 : i32
    %dma_wait3A_312 = tpu.memref_slice %arg6[%arg0, %add3A_310, %dma_wait3A_311] : memref<2x10240x128xf32, #tpu.memory_space<hbm>> -> memref<1x128x128xf32, #tpu.memory_space<hbm>>
    %dma_wait3A_313 = tpu.memref_squeeze %dma_wait3A_312 : memref<1x128x128xf32, #tpu.memory_space<hbm>> -> memref<128x128xf32, #tpu.memory_space<hbm>>
    %dma_wait3A_314 = arith.constant 0 : i32
    %dma_wait3A_315 = tpu.memref_slice %arg6[%arg0, %add3A_310, %dma_wait3A_314] : memref<2x10240x128xf32, #tpu.memory_space<hbm>> -> memref<1x128x128xf32, #tpu.memory_space<hbm>>
    %dma_wait3A_316 = tpu.memref_squeeze %dma_wait3A_315 : memref<1x128x128xf32, #tpu.memory_space<hbm>> -> memref<128x128xf32, #tpu.memory_space<hbm>>
    tpu.wait_dma2 semaphore(%arg19 : memref<!tpu.dma_semaphore, #tpu.memory_space<semaphore_mem>>) src(%arg12 : memref<128x128xf32, #tpu.memory_space<vmem>>) dst(%dma_wait3A_316 : memref<128x128xf32, #tpu.memory_space<hbm>>)
    %add3A_317 = arith.constant 384 : i32
    %add3A_318 = arith.addi %mul3A_2, %add3A_317 : i32
    "tpu.region"() ({
      %run_scoped3A = tpu.sem_alloc : memref<!tpu.dma_semaphore, #tpu.memory_space<semaphore_mem>>
      %dma_start3A_361 = arith.constant 0 : i32
      %dma_start3A_362 = tpu.memref_slice %arg16[%add3A_318, %dma_start3A_361] : memref<10240x128xf32, #tpu.memory_space<vmem_shared>> -> memref<128x128xf32, #tpu.memory_space<vmem_shared>>
      %dma_start3A_363 = arith.constant 0 : i32
      %dma_start3A_364 = tpu.memref_slice %arg16[%add3A_318, %dma_start3A_363] : memref<10240x128xf32, #tpu.memory_space<vmem_shared>> -> memref<128x128xf32, #tpu.memory_space<vmem_shared>>
      tpu.enqueue_dma source(%dma_start3A_364 : memref<128x128xf32, #tpu.memory_space<vmem_shared>>) target(%arg12 : memref<128x128xf32, #tpu.memory_space<vmem>>) target_semaphore(%run_scoped3A : memref<!tpu.dma_semaphore, #tpu.memory_space<semaphore_mem>>)
      %dma_wait3A_365 = arith.constant 0 : i32
      %dma_wait3A_366 = tpu.memref_slice %arg16[%add3A_318, %dma_wait3A_365] : memref<10240x128xf32, #tpu.memory_space<vmem_shared>> -> memref<128x128xf32, #tpu.memory_space<vmem_shared>>
      %dma_wait3A_367 = arith.constant 0 : i32
      %dma_wait3A_368 = tpu.memref_slice %arg16[%add3A_318, %dma_wait3A_367] : memref<10240x128xf32, #tpu.memory_space<vmem_shared>> -> memref<128x128xf32, #tpu.memory_space<vmem_shared>>
      tpu.wait_dma2 semaphore(%run_scoped3A : memref<!tpu.dma_semaphore, #tpu.memory_space<semaphore_mem>>) src(%dma_wait3A_368 : memref<128x128xf32, #tpu.memory_space<vmem_shared>>) dst(%arg12 : memref<128x128xf32, #tpu.memory_space<vmem>>)
      tpu.yield
    }) : () -> ()
    %add3A_319 = arith.constant 384 : i32
    %add3A_320 = arith.addi %mul3A_2, %add3A_319 : i32
    %dma_start3A_321 = arith.constant 0 : i32
    %dma_start3A_322 = tpu.memref_slice %arg6[%arg0, %add3A_320, %dma_start3A_321] : memref<2x10240x128xf32, #tpu.memory_space<hbm>> -> memref<1x128x128xf32, #tpu.memory_space<hbm>>
    %dma_start3A_323 = tpu.memref_squeeze %dma_start3A_322 : memref<1x128x128xf32, #tpu.memory_space<hbm>> -> memref<128x128xf32, #tpu.memory_space<hbm>>
    %dma_start3A_324 = arith.constant 0 : i32
    %dma_start3A_325 = tpu.memref_slice %arg6[%arg0, %add3A_320, %dma_start3A_324] : memref<2x10240x128xf32, #tpu.memory_space<hbm>> -> memref<1x128x128xf32, #tpu.memory_space<hbm>>
    %dma_start3A_326 = tpu.memref_squeeze %dma_start3A_325 : memref<1x128x128xf32, #tpu.memory_space<hbm>> -> memref<128x128xf32, #tpu.memory_space<hbm>>
    tpu.enqueue_dma source(%arg12 : memref<128x128xf32, #tpu.memory_space<vmem>>) target(%dma_start3A_326 : memref<128x128xf32, #tpu.memory_space<hbm>>) target_semaphore(%arg19 : memref<!tpu.dma_semaphore, #tpu.memory_space<semaphore_mem>>)
    %add3A_327 = arith.constant 256 : i32
    %add3A_328 = arith.addi %mul3A_2, %add3A_327 : i32
    %dma_wait3A_329 = arith.constant 0 : i32
    %dma_wait3A_330 = tpu.memref_slice %arg6[%arg0, %add3A_328, %dma_wait3A_329] : memref<2x10240x128xf32, #tpu.memory_space<hbm>> -> memref<1x128x128xf32, #tpu.memory_space<hbm>>
    %dma_wait3A_331 = tpu.memref_squeeze %dma_wait3A_330 : memref<1x128x128xf32, #tpu.memory_space<hbm>> -> memref<128x128xf32, #tpu.memory_space<hbm>>
    %dma_wait3A_332 = arith.constant 0 : i32
    %dma_wait3A_333 = tpu.memref_slice %arg6[%arg0, %add3A_328, %dma_wait3A_332] : memref<2x10240x128xf32, #tpu.memory_space<hbm>> -> memref<1x128x128xf32, #tpu.memory_space<hbm>>
    %dma_wait3A_334 = tpu.memref_squeeze %dma_wait3A_333 : memref<1x128x128xf32, #tpu.memory_space<hbm>> -> memref<128x128xf32, #tpu.memory_space<hbm>>
    tpu.wait_dma2 semaphore(%arg17 : memref<!tpu.dma_semaphore, #tpu.memory_space<semaphore_mem>>) src(%arg11 : memref<128x128xf32, #tpu.memory_space<vmem>>) dst(%dma_wait3A_334 : memref<128x128xf32, #tpu.memory_space<hbm>>)
    %add3A_335 = arith.constant 512 : i32
    %add3A_336 = arith.addi %mul3A_2, %add3A_335 : i32
    "tpu.region"() ({
      %run_scoped3A = tpu.sem_alloc : memref<!tpu.dma_semaphore, #tpu.memory_space<semaphore_mem>>
      %dma_start3A_361 = arith.constant 0 : i32
      %dma_start3A_362 = tpu.memref_slice %arg16[%add3A_336, %dma_start3A_361] : memref<10240x128xf32, #tpu.memory_space<vmem_shared>> -> memref<128x128xf32, #tpu.memory_space<vmem_shared>>
      %dma_start3A_363 = arith.constant 0 : i32
      %dma_start3A_364 = tpu.memref_slice %arg16[%add3A_336, %dma_start3A_363] : memref<10240x128xf32, #tpu.memory_space<vmem_shared>> -> memref<128x128xf32, #tpu.memory_space<vmem_shared>>
      tpu.enqueue_dma source(%dma_start3A_364 : memref<128x128xf32, #tpu.memory_space<vmem_shared>>) target(%arg11 : memref<128x128xf32, #tpu.memory_space<vmem>>) target_semaphore(%run_scoped3A : memref<!tpu.dma_semaphore, #tpu.memory_space<semaphore_mem>>)
      %dma_wait3A_365 = arith.constant 0 : i32
      %dma_wait3A_366 = tpu.memref_slice %arg16[%add3A_336, %dma_wait3A_365] : memref<10240x128xf32, #tpu.memory_space<vmem_shared>> -> memref<128x128xf32, #tpu.memory_space<vmem_shared>>
      %dma_wait3A_367 = arith.constant 0 : i32
      %dma_wait3A_368 = tpu.memref_slice %arg16[%add3A_336, %dma_wait3A_367] : memref<10240x128xf32, #tpu.memory_space<vmem_shared>> -> memref<128x128xf32, #tpu.memory_space<vmem_shared>>
      tpu.wait_dma2 semaphore(%run_scoped3A : memref<!tpu.dma_semaphore, #tpu.memory_space<semaphore_mem>>) src(%dma_wait3A_368 : memref<128x128xf32, #tpu.memory_space<vmem_shared>>) dst(%arg11 : memref<128x128xf32, #tpu.memory_space<vmem>>)
      tpu.yield
    }) : () -> ()
    %add3A_337 = arith.constant 512 : i32
    %add3A_338 = arith.addi %mul3A_2, %add3A_337 : i32
    %dma_start3A_339 = arith.constant 0 : i32
    %dma_start3A_340 = tpu.memref_slice %arg6[%arg0, %add3A_338, %dma_start3A_339] : memref<2x10240x128xf32, #tpu.memory_space<hbm>> -> memref<1x128x128xf32, #tpu.memory_space<hbm>>
    %dma_start3A_341 = tpu.memref_squeeze %dma_start3A_340 : memref<1x128x128xf32, #tpu.memory_space<hbm>> -> memref<128x128xf32, #tpu.memory_space<hbm>>
    %dma_start3A_342 = arith.constant 0 : i32
    %dma_start3A_343 = tpu.memref_slice %arg6[%arg0, %add3A_338, %dma_start3A_342] : memref<2x10240x128xf32, #tpu.memory_space<hbm>> -> memref<1x128x128xf32, #tpu.memory_space<hbm>>
    %dma_start3A_344 = tpu.memref_squeeze %dma_start3A_343 : memref<1x128x128xf32, #tpu.memory_space<hbm>> -> memref<128x128xf32, #tpu.memory_space<hbm>>
    tpu.enqueue_dma source(%arg11 : memref<128x128xf32, #tpu.memory_space<vmem>>) target(%dma_start3A_344 : memref<128x128xf32, #tpu.memory_space<hbm>>) target_semaphore(%arg17 : memref<!tpu.dma_semaphore, #tpu.memory_space<semaphore_mem>>)
    %add3A_345 = arith.constant 384 : i32
    %add3A_346 = arith.addi %mul3A_2, %add3A_345 : i32
    %dma_wait3A_347 = arith.constant 0 : i32
    %dma_wait3A_348 = tpu.memref_slice %arg6[%arg0, %add3A_346, %dma_wait3A_347] : memref<2x10240x128xf32, #tpu.memory_space<hbm>> -> memref<1x128x128xf32, #tpu.memory_space<hbm>>
    %dma_wait3A_349 = tpu.memref_squeeze %dma_wait3A_348 : memref<1x128x128xf32, #tpu.memory_space<hbm>> -> memref<128x128xf32, #tpu.memory_space<hbm>>
    %dma_wait3A_350 = arith.constant 0 : i32
    %dma_wait3A_351 = tpu.memref_slice %arg6[%arg0, %add3A_346, %dma_wait3A_350] : memref<2x10240x128xf32, #tpu.memory_space<hbm>> -> memref<1x128x128xf32, #tpu.memory_space<hbm>>
    %dma_wait3A_352 = tpu.memref_squeeze %dma_wait3A_351 : memref<1x128x128xf32, #tpu.memory_space<hbm>> -> memref<128x128xf32, #tpu.memory_space<hbm>>
    tpu.wait_dma2 semaphore(%arg19 : memref<!tpu.dma_semaphore, #tpu.memory_space<semaphore_mem>>) src(%arg12 : memref<128x128xf32, #tpu.memory_space<vmem>>) dst(%dma_wait3A_352 : memref<128x128xf32, #tpu.memory_space<hbm>>)
    %add3A_353 = arith.constant 512 : i32
    %add3A_354 = arith.addi %mul3A_2, %add3A_353 : i32
    %dma_wait3A_355 = arith.constant 0 : i32
    %dma_wait3A_356 = tpu.memref_slice %arg6[%arg0, %add3A_354, %dma_wait3A_355] : memref<2x10240x128xf32, #tpu.memory_space<hbm>> -> memref<1x128x128xf32, #tpu.memory_space<hbm>>
    %dma_wait3A_357 = tpu.memref_squeeze %dma_wait3A_356 : memref<1x128x128xf32, #tpu.memory_space<hbm>> -> memref<128x128xf32, #tpu.memory_space<hbm>>
    %dma_wait3A_358 = arith.constant 0 : i32
    %dma_wait3A_359 = tpu.memref_slice %arg6[%arg0, %add3A_354, %dma_wait3A_358] : memref<2x10240x128xf32, #tpu.memory_space<hbm>> -> memref<1x128x128xf32, #tpu.memory_space<hbm>>
    %dma_wait3A_360 = tpu.memref_squeeze %dma_wait3A_359 : memref<1x128x128xf32, #tpu.memory_space<hbm>> -> memref<128x128xf32, #tpu.memory_space<hbm>>
    tpu.wait_dma2 semaphore(%arg17 : memref<!tpu.dma_semaphore, #tpu.memory_space<semaphore_mem>>) src(%arg11 : memref<128x128xf32, #tpu.memory_space<vmem>>) dst(%dma_wait3A_360 : memref<128x128xf32, #tpu.memory_space<hbm>>)
    return
  }
}

module attributes {stable_mosaic.version = 14 : i64} {
  func.func @_tc_finish(%arg0: i32, %arg1: memref<2x1000x128xf32, #tpu.memory_space<vmem>>, %arg2: memref<2x1000x128xf32, #tpu.memory_space<vmem>>, %arg3: memref<128x128xf32, #tpu.memory_space<vmem>>, %arg4: memref<1x128xf32, #tpu.memory_space<vmem>>, %arg5: memref<1000x128xf32, #tpu.memory_space<vmem>>) attributes {dimension_semantics = [#tpu.dimension_semantics<arbitrary>], iteration_bounds = array<i64: 10>, scalar_prefetch = 0 : i64, scratch_operands = 0 : i64, tpu.core_type = #tpu.core_type<tc>, window_params = [{transform_indices = @transform_0, window_bounds = array<i64: 2, 1000, 128>}, {transform_indices = @transform_1, window_bounds = array<i64: 2, 1000, 128>}, {pipeline_mode = #tpu.pipeline_mode<synchronous>, transform_indices = @transform_2, window_bounds = array<i64: 128, 128>}, {pipeline_mode = #tpu.pipeline_mode<synchronous>, transform_indices = @transform_3, window_bounds = array<i64: 1, 128>}, {transform_indices = @transform_4, window_bounds = array<i64: 1000, 128>}]} {
    %get3A = arith.constant 0 : index
    %get3A_0 = arith.constant 0 : index
    %get3A_1 = arith.constant 0 : index
    %get3A_2 = vector.load %arg1[%get3A, %get3A_0, %get3A_1] : memref<2x1000x128xf32, #tpu.memory_space<vmem>>, vector<1x1000x128xf32>
    %get3A_3 = vector.shape_cast %get3A_2 : vector<1x1000x128xf32> to vector<1000x128xf32>
    %get3A_4 = arith.constant 1 : index
    %get3A_5 = arith.constant 0 : index
    %get3A_6 = arith.constant 0 : index
    %get3A_7 = vector.load %arg1[%get3A_4, %get3A_5, %get3A_6] : memref<2x1000x128xf32, #tpu.memory_space<vmem>>, vector<1x1000x128xf32>
    %get3A_8 = vector.shape_cast %get3A_7 : vector<1x1000x128xf32> to vector<1000x128xf32>
    %add3A = arith.addf %get3A_3, %get3A_8 : vector<1000x128xf32>
    %get3A_9 = arith.constant 0 : index
    %get3A_10 = arith.constant 0 : index
    %get3A_11 = arith.constant 0 : index
    %get3A_12 = vector.load %arg2[%get3A_9, %get3A_10, %get3A_11] : memref<2x1000x128xf32, #tpu.memory_space<vmem>>, vector<1x1000x1xf32>
    %get3A_13 = vector.shape_cast %get3A_12 : vector<1x1000x1xf32> to vector<1000x1xf32>
    %get3A_14 = arith.constant 0 : index
    %get3A_15 = arith.constant 0 : index
    %get3A_16 = arith.constant 0 : index
    %get3A_17 = vector.load %arg1[%get3A_14, %get3A_15, %get3A_16] : memref<2x1000x128xf32, #tpu.memory_space<vmem>>, vector<1x1000x1xf32>
    %get3A_18 = vector.shape_cast %get3A_17 : vector<1x1000x1xf32> to vector<1000x1xf32>
    %sub3A = arith.subf %get3A_13, %get3A_18 : vector<1000x1xf32>
    %get3A_19 = arith.constant 1 : index
    %get3A_20 = arith.constant 0 : index
    %get3A_21 = arith.constant 0 : index
    %get3A_22 = vector.load %arg2[%get3A_19, %get3A_20, %get3A_21] : memref<2x1000x128xf32, #tpu.memory_space<vmem>>, vector<1x1000x1xf32>
    %get3A_23 = vector.shape_cast %get3A_22 : vector<1x1000x1xf32> to vector<1000x1xf32>
    %get3A_24 = arith.constant 1 : index
    %get3A_25 = arith.constant 0 : index
    %get3A_26 = arith.constant 0 : index
    %get3A_27 = vector.load %arg1[%get3A_24, %get3A_25, %get3A_26] : memref<2x1000x128xf32, #tpu.memory_space<vmem>>, vector<1x1000x1xf32>
    %get3A_28 = vector.shape_cast %get3A_27 : vector<1x1000x1xf32> to vector<1000x1xf32>
    %sub3A_29 = arith.subf %get3A_23, %get3A_28 : vector<1000x1xf32>
    %add3A_30 = arith.addf %sub3A, %sub3A_29 : vector<1000x1xf32>
    %max3A = arith.constant 1.000000e+00 : f32
    %max3A_31 = vector.broadcast %max3A : f32 to vector<1000x1xf32>
    %max3A_32 = arith.maximumf %add3A_30, %max3A_31 : vector<1000x1xf32>
    %div3A = vector.broadcast %max3A_32 : vector<1000x1xf32> to vector<1000x128xf32>
    %div3A_33 = arith.divf %add3A, %div3A : vector<1000x128xf32>
    %get3A_34 = arith.constant 0 : index
    %get3A_35 = arith.constant 0 : index
    %get3A_36 = vector.load %arg3[%get3A_34, %get3A_35] : memref<128x128xf32, #tpu.memory_space<vmem>>, vector<128x128xf32>
    %dot_general3A = arith.constant dense<0.000000e+00> : vector<1000x128xf32>
    %dot_general3A_37 = tpu.matmul %div3A_33, %get3A_36, %dot_general3A {dimension_numbers = #tpu.dot_dimension_numbers<[1], [1], [0], [0], [0, 0, 1, 0], [], []>, transpose_lhs_hint = false} : vector<1000x128xf32>, vector<128x128xf32>, vector<1000x128xf32> -> vector<1000x128xf32>
    %gt3A = arith.constant 0.000000e+00 : f32
    %gt3A_38 = vector.broadcast %gt3A : f32 to vector<1000x1xf32>
    %gt3A_39 = arith.cmpf ogt, %add3A_30, %gt3A_38 : vector<1000x1xf32>
    %get3A_40 = arith.constant 0 : index
    %get3A_41 = arith.constant 0 : index
    %get3A_42 = vector.load %arg4[%get3A_40, %get3A_41] : memref<1x128xf32, #tpu.memory_space<vmem>>, vector<1x128xf32>
    %add3A_43 = vector.broadcast %get3A_42 : vector<1x128xf32> to vector<1000x128xf32>
    %add3A_44 = arith.addf %dot_general3A_37, %add3A_43 : vector<1000x128xf32>
    %jit3A = arith.constant 0.000000e+00 : f32
    %broadcast_in_dim3A = vector.shape_cast %gt3A_39 : vector<1000x1xi1> to vector<1000x1xi1>
    %broadcast_in_dim3A_45 = vector.broadcast %broadcast_in_dim3A : vector<1000x1xi1> to vector<1000x128xi1>
    %broadcast_in_dim3A_46 = vector.broadcast %jit3A : f32 to vector<1000x128xf32>
    %select_n3A = arith.select %broadcast_in_dim3A_45, %add3A_44, %broadcast_in_dim3A_46 : vector<1000x128xi1>, vector<1000x128xf32>
    %swap3A = arith.constant 0 : index
    %swap3A_47 = arith.constant 0 : index
    %swap3A_48 = vector.load %arg5[%swap3A, %swap3A_47] : memref<1000x128xf32, #tpu.memory_space<vmem>>, vector<1000x128xf32>
    tpu.vector_store %arg5[%swap3A, %swap3A_47], %select_n3A {strides = array<i32>} : memref<1000x128xf32, #tpu.memory_space<vmem>>, vector<1000x128xf32>,
    return
  }
  func.func @transform_0(%arg0: i32) -> (i32, i32, i32) {
    %c0_i32 = arith.constant 0 : i32
    %c0_i32_0 = arith.constant 0 : i32
    %c0_i32_1 = arith.constant 0 : i32
    return %c0_i32, %arg0, %c0_i32_0 : i32, i32, i32
  }
  func.func @transform_1(%arg0: i32) -> (i32, i32, i32) {
    %c0_i32 = arith.constant 0 : i32
    %c0_i32_0 = arith.constant 0 : i32
    %c0_i32_1 = arith.constant 0 : i32
    return %c0_i32, %arg0, %c0_i32_0 : i32, i32, i32
  }
  func.func @transform_2(%arg0: i32) -> (i32, i32) {
    %c0_i32 = arith.constant 0 : i32
    %c0_i32_0 = arith.constant 0 : i32
    %c0_i32_1 = arith.constant 0 : i32
    return %c0_i32, %c0_i32_0 : i32, i32
  }
  func.func @transform_3(%arg0: i32) -> (i32, i32) {
    %c0_i32 = arith.constant 0 : i32
    %c0_i32_0 = arith.constant 0 : i32
    %c0_i32_1 = arith.constant 0 : i32
    return %c0_i32, %c0_i32_0 : i32, i32
  }
  func.func @transform_4(%arg0: i32) -> (i32, i32) {
    %c0_i32 = arith.constant 0 : i32
    %c0_i32_0 = arith.constant 0 : i32
    return %arg0, %c0_i32 : i32, i32
  }
}

</mosaic_0001>

<sc_bundles>
// kernel: kernel.4.cloned.1.call-start
scs
__scs_entry_jumppad:
0x0: {  	(pc) =	sbr.rel $0x88, $3  }
0x1: {  	(tag) =	ssettag $0x0;
	lr =	simm.s32 $0x1  }
0x2: {  	[smem:$0x3F9D] =	sst lr;
	_ =	strace $0xD0000000  }
0x3: {  	_ = 	snop  }
0x4: {  	_ = 	snop  }
0x5: {  	_ = 	snop  }
0x6: {  	_ = 	snop  }
0x7: {  	_ = 	snop  }
__scs_overlays_trampoline_lowered:
0x8: {  	[smem:$0x3FAC] =	sst s0  }
0x9: {  	[smem:$0x3FAD] =	sst s1  }
0xa: {  	[smem:$0x3FAE] =	sst s2  }
0xb: {  	[smem:$0x3FAF] =	sst s3  }
0xc: {  	[smem:$0x3FB0] =	sst s4  }
0xd: {  	[smem:$0x3FB1] =	sst s5  }
0xe: {  	[smem:$0x3FB2] =	sst s6  }
0xf: {  	[smem:$0x3FB3] =	sst s7  }
0x10: {  	[smem:$0x3FB4] =	sst s8  }
0x11: {  	[smem:$0x3FB5] =	sst s9;
	s0 =	simm.s32 @!p0 $0x0  }
0x12: {  	s1 =	sld [smem:$0x3F9B];
	s0 =	simm.s32 @p0 $0x1  }
0x13: {  	[smem:$0x3FB6] =	sst s0;
	s0 =	simm.s32 @!p1 $0x0  }
0x14: {  	s2 =	sld [smem:$0x3F9A];
	s0 =	simm.s32 @p1 $0x1  }
0x15: {  	[smem:$0x3FB7] =	sst s0;
	s0 =	simm.s32 @!p2 $0x0  }
0x16: {  	s3 =	sld [smem:$0x3FDB];
	s0 =	simm.s32 @p2 $0x1  }
0x17: {  	s4 =	simm.s32 $0x1BF5;
	[smem:$0x3FB9] =	sst s0  }
0x18: {  	s0 =	sld [smem:$0x3F9C];
	_ =	swait.ge [sflag:s4], $0x0  }
0x19: {  	s7 =	sld [smem:$0x3F9D]  }
0x1a: {  	s8 =	sadd.s32 $0xFFFFE003, lr  }
0x1b: {  	s9 =	sadd.s32 $0xFFFFFEF7, lr;
	s5 =	simm.s32 $0xFFFFFFFF;
	p2 =	slt.u32 s8, $0xFFFFF086  }
0x1c: {  	p1 =	slt.u32 s9, $0xF7A;
	s5 =	simm.s32 @!p2 $0x0  }
0x1d: {  	s5 =	simm.s32 @p1 $0x1;
	p0 =	seq.s32 s7, s2  }
0x1e: {  	s7 =	smul.u32 @!p0 $0xF7A, s2;
	p2 =	seq.s32 @!p0 s5, $0x0  }
0x1f: {  	s9 =	smul.u32 $0xF7A, s1;
	s8 =	simm.s32 @!p0 $0x1BF5;
	p2 =	por !p2, p0  }
0x20: {  	[sflag:s8] =	ssyncset.s32 @!p0 $0xFFFFF086;
	s6 =	sadd.s32 @!p0 s3, s7;
	s7 =	simm.s32 @!p0 $0x108  }
0x21: {  	s3 =	sadd.s32 s3, s9;
	s6 =	sadd.s32 @!p0 $0x88, s6;
	s7 =	simm.s32 @p2 $0x1082  }
0x22: {  	[simem:s7], [sflag:s8] =	dma.local @!p0 [hbm:s6], $0xF7A  }
0x23: {  	s9 =	sor.u32 $0xD0000000, s2;
	s6 =	simm.s32 $0x108;
	_ =	swait.ge @!p0 [sflag:s8], $0x0  }
0x24: {  	s3 =	sadd.s32 $0x88, s3;
	s6 =	simm.s32 @!p1 $0x1082;
	[sflag:s4] =	ssyncset.s32 $0xFFFFF086  }
0x25: {  	[simem:s6], [sflag:s4] =	dma.local [hbm:s3], $0xF7A  }
0x26: {  	[smem:$0x3F9D] =	sst s1;
	(tag) =	ssettag s2;
	_ =	strace s9  }
0x27: {  	s1 =	sld [smem:$0x3FAD]  }
0x28: {  	s2 =	sld [smem:$0x3FAE]  }
0x29: {  	s4 =	sld [smem:$0x3FB0]  }
0x2a: {  	p0 =	seq.s32 s5, $0x0;
	s5 =	sld [smem:$0x3FB1]  }
0x2b: {  	s6 =	sld [smem:$0x3FB2]  }
0x2c: {  	s7 =	sld [smem:$0x3FB3]  }
0x2d: {  	s3 =	simm.s32 $0x108;
	s8 =	sld [smem:$0x3FB4]  }
0x2e: {  	s3 =	simm.s32 @!p0 $0x1082;
	s9 =	sld [smem:$0x3FB5]  }
0x2f: {  	lr =	sadd.s32 s0, s3;
	s0 =	sld [smem:$0x3FAC]  }
0x30: {  	s3 =	sld [smem:$0x3FAF]  }
0x31: {  	[smem:$0x3FB8] =	sst s10  }
0x32: {  	s10 =	sld [smem:$0x3FB6];
	_ =	sdelay $0x3  }
0x33: {  	p0 =	seq.s32 s10, $0x1;
	s10 =	sld [smem:$0x3FB8];
	_ =	sdelay $0x3  }
0x34: {  	[smem:$0x3FB8] =	sst s10  }
0x35: {  	s10 =	sld [smem:$0x3FB7];
	_ =	sdelay $0x3  }
0x36: {  	p1 =	seq.s32 s10, $0x1;
	s10 =	sld [smem:$0x3FB8];
	_ =	sdelay $0x3  }
0x37: {  	[smem:$0x3FB8] =	sst s10  }
0x38: {  	s10 =	sld [smem:$0x3FB9]  }
0x39: {  	_ = 	snop;
	(pc) =	sbr.ind lr, $3  }
0x3a: {  	_ = 	snop  }
0x3b: {  	_ = 	snop  }
0x3c: {  	p2 =	seq.s32 s10, $0x1;
	s10 =	sld [smem:$0x3FB8]  }
0x3d: {  	_ =	shalt  }
0x3e: {  	_ =	shalt  }
0x3f: {  	_ =	shalt  }
0x40: {  	_ =	shalt  }
0x41: {  	_ =	shalt  }
0x42: {  	_ =	shalt  }
0x43: {  	_ =	shalt  }
0x44: {  	_ =	shalt  }
0x45: {  	_ =	shalt  }
0x46: {  	_ =	shalt  }
0x47: {  	_ =	shalt  }
0x48: {  	_ =	shalt  }
0x49: {  	_ =	shalt  }
0x4a: {  	_ =	shalt  }
0x4b: {  	_ =	shalt  }
0x4c: {  	_ =	shalt  }
0x4d: {  	_ =	shalt  }
0x4e: {  	_ =	shalt  }
0x4f: {  	_ =	shalt  }
0x50: {  	_ =	shalt  }
0x51: {  	_ =	shalt  }
0x52: {  	_ =	shalt  }
0x53: {  	_ =	shalt  }
0x54: {  	_ =	shalt  }
0x55: {  	_ =	shalt  }
0x56: {  	_ =	shalt  }
0x57: {  	_ =	shalt  }
0x58: {  	_ =	shalt  }
0x59: {  	_ =	shalt  }
0x5a: {  	_ =	shalt  }
0x5b: {  	_ =	shalt  }
0x5c: {  	_ =	shalt  }
0x5d: {  	_ =	shalt  }
0x5e: {  	_ =	shalt  }
0x5f: {  	_ =	shalt  }
0x60: {  	_ =	shalt  }
0x61: {  	_ =	shalt  }
0x62: {  	_ =	shalt  }
0x63: {  	_ =	shalt  }
0x64: {  	_ =	shalt  }
0x65: {  	_ =	shalt  }
0x66: {  	_ =	shalt  }
0x67: {  	_ =	shalt  }
0x68: {  	_ =	shalt  }
0x69: {  	_ =	shalt  }
0x6a: {  	_ =	shalt  }
0x6b: {  	_ =	shalt  }
0x6c: {  	_ =	shalt  }
0x6d: {  	_ =	shalt  }
0x6e: {  	_ =	shalt  }
0x6f: {  	_ =	shalt  }
0x70: {  	_ =	shalt  }
0x71: {  	_ =	shalt  }
0x72: {  	_ =	shalt  }
0x73: {  	_ =	shalt  }
0x74: {  	_ =	shalt  }
0x75: {  	_ =	shalt  }
0x76: {  	_ =	shalt  }
0x77: {  	_ =	shalt  }
0x78: {  	_ =	shalt  }
0x79: {  	_ =	shalt  }
0x7a: {  	_ =	shalt  }
0x7b: {  	_ =	shalt  }
0x7c: {  	_ =	shalt  }
0x7d: {  	_ =	shalt  }
0x7e: {  	_ =	shalt  }
0x7f: {  	_ =	shalt  }
0x80: {  	_ =	shalt  }
0x81: {  	_ =	shalt  }
0x82: {  	_ =	shalt  }
0x83: {  	_ =	shalt  }
0x84: {  	_ =	shalt  }
0x85: {  	_ =	shalt  }
0x86: {  	_ =	shalt  }
0x87: {  	_ =	shalt  }
.Lfunc_end0:
.L_simem_size_0:
called_computation_lowered:
.L_overlay_start_0:
0x88: {  	s2 =	sld [smem:$0x3FD9]  }
0x89: {  	s3 =	sld [smem:$0x3FFE];
	_ =	sdelay $0x1  }
0x8a: {  	s1 =	srdreg.scid  }
0x8b: {  	s0 =	sand.u32 $0x1, s1  }
0x8c: {  	s17 =	sshll.u32 s0, $0xA;
	s2 =	sadd.s32 s3, s2  }
0x8d: {  	s2 =	sadd.s32 s2, s17  }
0x8e: {  	[smem:$0x3FC4] =	sst s2  }
0x8f: {  	_ = 	snop  }
0x90: {  	s2 =	sld [smem:$0x3FC9]  }
0x91: {  	s18 =	sld [smem:$0x3FD0];
	(tm) =	ssettm $0x1  }
0x92: {  	s4 =	sld [smem:$0x3FFB];
	_ =	sdelay $0x3  }
0x93: {  	_ =	strace s4  }
0x94: {  	s4 =	sld [smem:$0x3FFC];
	_ =	sdelay $0x3  }
0x95: {  	_ =	strace s4  }
0x96: {  	s4 =	sld [smem:$0x3FFD];
	_ =	sdelay $0x3  }
0x97: {  	_ =	strace s4  }
0x98: {  	_ =	strace $0x8FFFFFFF  }
0x99: {  	s19 =	sld [smem:$0x3FDB];
	_ =	sdelay $0x1  }
0x9a: {  	s5 =	simm.s32 $_scs_section_size  }
0x9b: {  	s6 =	simm.s32 $_size__tile_overlayer_lowered;
	s7 =	simm.s32 $_tile_overlayer_lowered  }
0x9c: {  	s22 =	simm.s32 $0x1BFF;
	s21 =	sshll.u32 s7, $0x1;
	s4 =	sadd.s32 s5, s19  }
0x9d: {  	s8 =	simm.s32 $0x0;
	s20 =	sshll.u32 s6, $0x1;
	s6 =	sadd.s32 s21, s4  }
0x9e: {  	[timem:s8], [sflag:s22] =	dma.local [hbm:s6], s20  }
0x9f: {  	_ =	swait.ge [sflag:s22], s20  }
0xa0: {  	s5 =	ssub.s32 $0x0, s20;
	[sflag:s22] =	ssyncset.done $0x0  }
0xa1: {  	[sflag:s22] =	ssyncadd.s32 s5;
	_ =	sdelay $0x1  }
0xa2: {  	s23 =	simm.s32 $0x1B8B  }
0xa3: {  	_ =	swait.ge [sflag:s23], $0x1  }
0xa4: {  	[sflag:s23] =	ssyncset.done $0x0  }
0xa5: {  	s25 =	simm.s32 $0x1B8E;
	s24 =	sld [smem:$0x3FFE];
	[sflag:s23] =	ssyncadd.s32 $0xFFFFFFFF  }
0xa6: {  	s26 =	simm.s32 $execute0_lowered;
	[smem:$0x3FD2] =	sst s25  }
0xa7: {  	s6 =	sshll.u32 s26, $0x1;
	_ =	strace $0x80000046;
	[dreg:$0x1] =	wrdreg $0xFFFFFFFF  }
0xa8: {  	s28 =	simm.s32 $_size_execute0_lowered;
	s4 =	sadd.s32 s4, s6;
	[dreg:$0x0] =	wrdreg $0x0  }
0xa9: {  	s6 =	sshll.u32 s28, $0x1;
	[dreg:$0x2] =	wrdreg s4  }
0xaa: {  	[dreg:$0x3] =	wrdreg s6  }
0xab: {  	[dreg:$0x4] =	wrdreg $0xC0  }
0xac: {  	_ =	task [dreg:s8], $0x5FFFF  }
0xad: {  	[dreg:$0x1] =	wrdreg $0xFFFFFFFF  }
0xae: {  	[dreg:$0x0] =	wrdreg $0x60  }
0xaf: {  	[dreg:$0x2] =	wrdreg s2  }
0xb0: {  	[dreg:$0x3] =	wrdreg s24  }
0xb1: {  	[dreg:$0x4] =	wrdreg s18  }
0xb2: {  	[dreg:$0x5] =	wrdreg $0x8B000  }
0xb3: {  	[dreg:$0x6] =	wrdreg $0x9  }
0xb4: {  	_ =	task.clear_ibuf [dreg:s8], $0x7FFFF;
	_ =	strace $0x90000046  }
0xb5: {  	s29 =	simm.s32 $0x9;
	_ =	strace $0x80000048  }
0xb6: {  	_ =	swait.ge [sflag:s29], $0x1  }
0xb7: {  	[sflag:s29] =	ssyncadd.s32 $0xFFFFFFFF  }
0xb8: {  	_ =	strace $0x90000048  }
0xb9: {  	_ =	sfence  }
0xba: {  	s30 =	sld [smem:$0x0];
	_ =	sdelay $0x2  }
0xbb: {  	s31 =	sshll.u32 s1, $0xD;
	s1 =	sshrl.u32 s1, $0x2  }
0xbc: {  	s3 =	sand.u32 $0x4000, s31;
	s1 =	sadd.s32 s1, s30  }
0xbd: {  	s0 =	sor.u32 s3, s0;
	s1 =	sshll.u32 s1, $0x11  }
0xbe: {  	s0 =	sor.u32 s1, s0  }
0xbf: {  	s0 =	sadd.s32 $0x8F2B, s0  }
0xc0: {  	[sflag:s0] =	ssyncadd.remote.s32 $0x1  }
0xc1: {  	_ =	sfence.sel $0xFFFF  }
0xc2: {  	[dreg:$0x0] =	wrdreg $0xFFFFFFFF;
	(pc) =	sbr.abs _section_cstart, $3  }
0xc3: {  	[dreg:$0x1] =	wrdreg $0xFFFFFFFF  }
0xc4: {  	_ =	task.clear_ibuf [dreg:s8], $0x2FFFF;
	_ =	strace $0x9FFFFFFF  }
0xc5: {  	(tm) =	ssettm $0x7FFFFFFF  }
tec
execute0_lowered:
.L_overlay_start_1:
0x0: {  	(tag) =	ssettag $0x1  }
0x1: {  	s1 =	rddreg [dreg:$0x1]  }
0x2: {  	s2 =	rddreg [dreg:$0x2];
	s0 =	simm.s32 $0x0;
	s4 =	srdreg.scid  }
0x3: {  	s17 =	stileid.u32;
	s30 =	simm.s32 $0x200;
	s31 =	simm.s32 $0x7  }
0x4: {  	s29 =	simm.s32 $0x6;
	[smem:$0x7FF] =	sst s0;
	s3 =	sadd.s32 $0x800, s1  }
0x5: {  	s5 =	sadd.s32 $0xA600, s1;
	s4 =	sand.u32 $0x1, s4;
	s8 =	smul.u32 $0x14000, s17  }
0x6: {  	s7 =	sshll.u32 s17, $0x1;
	s1 =	sadd.s32 $0x5A600, s1;
	s15 =	smul.u32 $0x140000, s4  }
0x7: {  	s6 =	ssub.s32 $0x2, s4;
	s7 =	sor.u32 s4, s7;
	s4 =	smul.u32 $0x4E0, s4  }
0x8: {  	s9 =	sshrl.u32 s6, $0x1;
	s10 =	smul.u32 $0x4E0, s7;
	s11 =	sadd.s32 $0x8000, s8  }
0x9: {  	s12 =	sadd.s32 $0xC000, s8;
	s13 =	sadd.s32 $0x10000, s8;
	s7 =	sshll.u32 s7, $0x1  }
0xa: {  	s6 =	ssub.s32 s6, s9;
	s9 =	sadd.s32 $0x4000, s8;
	s14 =	sadd.s32 s3, s10  }
0xb: {  	s26 =	sor.u32 $0x10, s10;
	s10 =	sadd.s32 s2, s10;
	[dreg:$0x5] =	wrdreg s14  }
0xc: {  	s8 =	sadd.s32 s8, s15;
	s19 =	sadd.s32 s15, s9;
	[dreg:$0x6] =	wrdreg s10  }
0xd: {  	s16 =	sadd.s32 s3, s26;
	s10 =	sshrl.u32 s19, $0x3;
	s19 =	rddreg [dreg:$0x0]  }
0xe: {  	s8 =	sshrl.u32 s8, $0x3;
	s18 =	sadd.s32 s2, s26;
	[dreg:$0x7] =	wrdreg s16  }
0xf: {  	s7 =	sor.u32 $0x9C00, s7;
	s20 =	sadd.s32 s5, s8;
	[dreg:$0x8] =	wrdreg s18  }
0x10: {  	s22 =	sadd.s32 s15, s11;
	s24 =	sadd.s32 s1, s8;
	[dreg:$0x9] =	wrdreg s20  }
0x11: {  	s14 =	sshrl.u32 s22, $0x3;
	s21 =	sadd.s32 s5, s10;
	[dreg:$0xe] =	wrdreg s24  }
0x12: {  	s16 =	sadd.s32 s15, s12;
	s15 =	sadd.s32 s15, s13;
	s20 =	rddreg [dreg:$0x3]  }
0x13: {  	s18 =	sadd.s32 s5, s14;
	s25 =	sadd.s32 s1, s10;
	[dreg:$0xa] =	wrdreg s21  }
0x14: {  	s26 =	sadd.s32 s1, s14;
	s10 =	sadd.s32 s3, s7;
	[dreg:$0xb] =	wrdreg s18  }
0x15: {  	s14 =	smul.u32 $0x9C0, s17;
	s24 =	smax.u32 s6, $0x1;
	[dreg:$0xf] =	wrdreg s25  }
0x16: {  	s6 =	simm.s32 $0x180;
	s16 =	sshrl.u32 s16, $0x3;
	[dreg:$0x10] =	wrdreg s26  }
0x17: {  	s15 =	sshrl.u32 s15, $0x3;
	[dreg:$0x13] =	wrdreg s10;
	s18 =	sadd.s32 s9, s20  }
0x18: {  	s25 =	sadd.s32 s11, s20;
	s26 =	sadd.s32 s12, s20;
	s28 =	sadd.s32 s13, s20  }
0x19: {  	s9 =	simm.s32 $0xC0;
	s10 =	simm.s32 $0x6200;
	s23 =	sadd.s32 s5, s16  }
0x1a: {  	s11 =	simm.s32 $0x1;
	s5 =	sadd.s32 s5, s15;
	[dreg:$0xc] =	wrdreg s23  }
0x1b: {  	s12 =	simm.s32 $0x2;
	s8 =	sadd.s32 s1, s16;
	[dreg:$0xd] =	wrdreg s5  }
0x1c: {  	s13 =	simm.s32 $0x3;
	s1 =	sadd.s32 s1, s15;
	[dreg:$0x11] =	wrdreg s8  }
0x1d: {  	s15 =	sadd.s32 s2, s7;
	s3 =	sadd.s32 s14, s3;
	[dreg:$0x12] =	wrdreg s1  }
0x1e: {  	s16 =	smul.u32 $0x50000, s17;
	s7 =	simm.s32 $0x5;
	[dreg:$0x14] =	wrdreg s15  }
0x1f: {  	s1 =	sadd.s32 s14, s2;
	s21 =	sadd.s32 s4, s3;
	s2 =	simm.s32 $0x2200  }
0x20: {  	s8 =	simm.s32 $0x4200;
	s14 =	simm.s32 $0x4;
	s15 =	simm.s32 $0x0  }
0x21: {  	s22 =	sadd.s32 s4, s1;
	_ =	strace $0x80000047;
	[dreg:$0x16] =	wrdreg s18  }
0x22: {  	s17 =	sshrl.u32 s16, $0x2;
	[dreg:$0x15] =	wrdreg s24;
	s18 =	simm.s32 $0x100  }
0x23: {  	v0 =	vimm.f32 $0.0e+00;
	v1 =	vimm.f32 $1.000000000e+00;
	s1 =	simm.s32 $0x40;
	s4 =	simm.s32 $0x80;
	s23 =	sadd.s32 s17, s20  }
.LBB2_1:
0x24: {  	s3 =	simm.s32 $0x0;
	s5 =	simm.s32 $0x200  }
.LBB2_2:
0x25: {  	p0 =	sne.s32 s5, $0xFE00;
	[tilespmem:s3+$0x270] =	vst v0  }
0x26: {  	[tilespmem:s3+$0x200] =	vst v0  }
0x27: {  	[tilespmem:s3+$0x210] =	vst v0  }
.Ltmp0:
0x28: {  	[tilespmem:s3+$0x220] =	vst v0;
	(pc) =	sbr.rel @p0 .LBB2_2-.Ltmp0, $4  }
0x29: {  	[tilespmem:s3+$0x230] =	vst v0  }
0x2a: {  	[tilespmem:s3+$0x240] =	vst v0  }
0x2b: {  	[tilespmem:s3+$0x250] =	vst v0  }
0x2c: {  	[tilespmem:s3+$0x260] =	vst v0;
	s3 =	sshra.s32 s5, $0x2;
	s5 =	sadd.s32 $0x200, s5  }
0x2d: {  	[tilespmem:s3+$0x270] =	vst v0  }
0x2e: {  	[tilespmem:s3+$0x200] =	vst v0  }
0x2f: {  	[tilespmem:s3+$0x210] =	vst v0  }
0x30: {  	[tilespmem:s3+$0x220] =	vst v0  }
0x31: {  	[tilespmem:s3+$0x230] =	vst v0  }
0x32: {  	[tilespmem:s3+$0x240] =	vst v0  }
0x33: {  	[tilespmem:s3+$0x250] =	vst v0  }
0x34: {  	[tilespmem:s3+$0x260] =	vst v0  }
0x35: {  	[spmem:s23] =	stream.linear.scatter [tilespmem:s30], [sflag:$0x7], $0x4000, $0x38;
	[tilespmem:$0x1CB00] =	vst v63  }
0x36: {  	_ =	swait.ge [sflag:s31], $0x4000  }
0x37: {  	[sflag:s31] =	ssyncset.done $0x0  }
0x38: {  	s5 =	rddreg [dreg:$0x16];
	[sflag:s31] =	ssyncadd.s32 $0xFFFFC000  }
0x39: {  	[spmem:s5] =	stream.linear.scatter [tilespmem:s30], [sflag:$0x7], $0x4000, $0x38;
	[tilespmem:$0x1CB00] =	vst v63  }
0x3a: {  	_ =	swait.ge [sflag:s31], $0x4000  }
0x3b: {  	[sflag:s31] =	ssyncset.done $0x0  }
0x3c: {  	[sflag:s31] =	ssyncadd.s32 $0xFFFFC000  }
0x3d: {  	[spmem:s25] =	stream.linear.scatter [tilespmem:s30], [sflag:$0x7], $0x4000, $0x38;
	[tilespmem:$0x1CB00] =	vst v63  }
0x3e: {  	_ =	swait.ge [sflag:s31], $0x4000  }
0x3f: {  	[sflag:s31] =	ssyncset.done $0x0  }
0x40: {  	[sflag:s31] =	ssyncadd.s32 $0xFFFFC000  }
0x41: {  	[spmem:s26] =	stream.linear.scatter [tilespmem:s30], [sflag:$0x7], $0x4000, $0x38;
	[tilespmem:$0x1CB00] =	vst v63  }
0x42: {  	_ =	swait.ge [sflag:s31], $0x4000  }
0x43: {  	[sflag:s31] =	ssyncset.done $0x0  }
0x44: {  	[sflag:s31] =	ssyncadd.s32 $0xFFFFC000  }
0x45: {  	[spmem:s28] =	stream.linear.scatter [tilespmem:s30], [sflag:$0x7], $0x4000, $0x38;
	[tilespmem:$0x1CB00] =	vst v63  }
0x46: {  	_ =	swait.ge [sflag:s31], $0x4000  }
0x47: {  	[sflag:s31] =	ssyncset.done $0x0  }
0x48: {  	[sflag:s31] =	ssyncadd.s32 $0xFFFFC000  }
0x49: {  	[bflag:$0x0] =	sbarrier.arrive $0xFFFF  }
0x4a: {  	s3 =	simm.s32 $0x0;
	s5 =	rddreg [dreg:$0x5]  }
0x4b: {  	[tilespmem:s3], [sflag:$0x7] =	stream.linear.gather [hbm4b:s5+s3], $0x80, $0x38;
	[tilespmem:$0x1CB00] =	vst v63  }
0x4c: {  	_ =	swait.ge [sflag:s31], $0x80  }
0x4d: {  	[sflag:s31] =	ssyncset.done $0x0  }
0x4e: {  	s16 =	rddreg [dreg:$0x6];
	[sflag:s31] =	ssyncadd.s32 $0xFFFFFF80  }
0x4f: {  	[tilespmem:s18], [sflag:$0x7] =	stream.linear.gather [hbm4b:s16+s3], $0x80, $0x38;
	[tilespmem:$0x1CB00] =	vst v63  }
0x50: {  	_ =	swait.ge [sflag:s31], $0x80  }
0x51: {  	[sflag:s31] =	ssyncset.done $0x0  }
0x52: {  	[sflag:s31] =	ssyncadd.s32 $0xFFFFFF80  }
0x53: {  	[tilespmem:s30], [sflag:$0x1] =	stream.indirect.gather [hbm4b:s19+s1], $0x80, s3, s1, $0xb8;
	[tilespmem:$0x1CB00] =	vst v63  }
0x54: {  	_ = 	snop  }
0x55: {  	[tilespmem:s2], [sflag:$0x2] =	stream.indirect.gather [hbm4b:s19+s1], $0x80, s1, s1, $0xb8;
	[tilespmem:$0x1CB00] =	vst v63  }
0x56: {  	s17 =	rddreg [dreg:$0x7]  }
0x57: {  	[tilespmem:s4], [sflag:$0x5] =	stream.linear.gather [hbm4b:s17+s3], $0x80, $0x38;
	[tilespmem:$0x1CB00] =	vst v63  }
0x58: {  	s24 =	smov.u32 s23;
	s23 =	rddreg [dreg:$0x8]  }
0x59: {  	[tilespmem:s6], [sflag:$0x5] =	stream.linear.gather [hbm4b:s23+s3], $0x80, $0x38;
	[tilespmem:$0x1CB00] =	vst v63  }
0x5a: {  	_ =	swait.ge [sflag:s7], $0x80  }
0x5b: {  	[sflag:s7] =	ssyncset.done $0x0  }
0x5c: {  	[sflag:s7] =	ssyncadd.s32 $0xFFFFFF80  }
0x5d: {  	_ =	swait.ge [sflag:s7], $0x80  }
0x5e: {  	[sflag:s7] =	ssyncset.done $0x0  }
0x5f: {  	[sflag:s7] =	ssyncadd.s32 $0xFFFFFF80  }
0x60: {  	[tilespmem:s8], [sflag:$0x3] =	stream.indirect.gather [hbm4b:s19+s1], $0x80, s4, s1, $0xb8;
	[tilespmem:$0x1CB00] =	vst v63  }
0x61: {  	_ = 	snop  }
0x62: {  	[tilespmem:s10], [sflag:$0x4] =	stream.indirect.gather [hbm4b:s19+s1], $0x80, s9, s1, $0xb8;
	[tilespmem:$0x1CB00] =	vst v63  }
0x63: {  	_ =	swait.ge [sflag:s11], $0x2000  }
0x64: {  	[sflag:s11] =	ssyncset.done $0x0  }
0x65: {  	[sflag:s11] =	ssyncadd.s32 $0xFFFFE000  }
0x66: {  	_ =	swait.ge [sflag:s12], $0x2000  }
0x67: {  	[sflag:s12] =	ssyncset.done $0x0  }
0x68: {  	[sflag:s12] =	ssyncadd.s32 $0xFFFFE000  }
0x69: {  	[spmem:s20] =	stream.indirect.scatter.add.f32 [tilespmem:s30], [sflag:$0x7], $0x80, s18, s4, $0xb8;
	[tilespmem:$0x1CB00] =	vst v63  }
0x6a: {  	_ =	swait.ge [sflag:s31], $0x4000  }
0x6b: {  	s3 =	sadd.s32 $0x0, s21;
	[sflag:s31] =	ssyncset.done $0x0  }
0x6c: {  	s17 =	sadd.s32 $0x0, s22;
	s16 =	sadd.s32 $0x20, s3;
	[sflag:s31] =	ssyncadd.s32 $0xFFFFC000  }
0x6d: {  	[tilespmem:s0], [sflag:$0x5] =	stream.linear.gather [hbm4b:s16+s0], $0x80, $0x38;
	[tilespmem:$0x1CB00] =	vst v63  }
0x6e: {  	s23 =	sadd.s32 $0x20, s17  }
0x6f: {  	[tilespmem:s18], [sflag:$0x5] =	stream.linear.gather [hbm4b:s23+s0], $0x80, $0x38;
	[tilespmem:$0x1CB00] =	vst v63  }
0x70: {  	_ =	swait.ge [sflag:s7], $0x80  }
0x71: {  	[sflag:s7] =	ssyncset.done $0x0  }
0x72: {  	[sflag:s7] =	ssyncadd.s32 $0xFFFFFF80  }
0x73: {  	_ =	swait.ge [sflag:s7], $0x80  }
0x74: {  	[sflag:s7] =	ssyncset.done $0x0  }
0x75: {  	[sflag:s7] =	ssyncadd.s32 $0xFFFFFF80  }
0x76: {  	[tilespmem:s30], [sflag:$0x1] =	stream.indirect.gather [hbm4b:s19+s1], $0x80, s0, s1, $0xb8;
	[tilespmem:$0x1CB00] =	vst v63  }
0x77: {  	_ = 	snop  }
0x78: {  	[tilespmem:s2], [sflag:$0x2] =	stream.indirect.gather [hbm4b:s19+s1], $0x80, s1, s1, $0xb8;
	[tilespmem:$0x1CB00] =	vst v63  }
0x79: {  	_ =	swait.ge [sflag:s13], $0x2000  }
0x7a: {  	[sflag:s13] =	ssyncset.done $0x0  }
0x7b: {  	[sflag:s13] =	ssyncadd.s32 $0xFFFFE000  }
0x7c: {  	_ =	swait.ge [sflag:s14], $0x2000  }
0x7d: {  	[sflag:s14] =	ssyncset.done $0x0  }
0x7e: {  	[sflag:s14] =	ssyncadd.s32 $0xFFFFE000  }
0x7f: {  	[spmem:s20] =	stream.indirect.scatter.add.f32 [tilespmem:s8], [sflag:$0x7], $0x80, s6, s4, $0xb8;
	[tilespmem:$0x1CB00] =	vst v63  }
0x80: {  	_ =	swait.ge [sflag:s31], $0x4000  }
0x81: {  	[sflag:s31] =	ssyncset.done $0x0  }
0x82: {  	s3 =	sadd.s32 $0x30, s3;
	[sflag:s31] =	ssyncadd.s32 $0xFFFFC000  }
0x83: {  	[tilespmem:s4], [sflag:$0x5] =	stream.linear.gather [hbm4b:s3+s0], $0x80, $0x38;
	[tilespmem:$0x1CB00] =	vst v63  }
0x84: {  	s5 =	sadd.s32 $0x30, s17;
	s3 =	simm.s32 $0x20  }
.LBB2_4:
0x85: {  	[tilespmem:s6], [sflag:$0x5] =	stream.linear.gather [hbm4b:s5+s0], $0x80, $0x38;
	[tilespmem:$0x1CB00] =	vst v63  }
0x86: {  	s5 =	smov.u32 s3  }
0x87: {  	p0 =	sne.s32 s3, $0x4A0;
	s3 =	sadd.s32 $0x20, s3;
	_ =	swait.ge [sflag:s7], $0x80  }
0x88: {  	[sflag:s7] =	ssyncset.done $0x0  }
0x89: {  	[sflag:s7] =	ssyncadd.s32 $0xFFFFFF80  }
0x8a: {  	_ =	swait.ge [sflag:s7], $0x80  }
0x8b: {  	[sflag:s7] =	ssyncset.done $0x0  }
0x8c: {  	[sflag:s7] =	ssyncadd.s32 $0xFFFFFF80  }
0x8d: {  	[tilespmem:s8], [sflag:$0x3] =	stream.indirect.gather [hbm4b:s19+s1], $0x80, s4, s1, $0xb8;
	[tilespmem:$0x1CB00] =	vst v63  }
0x8e: {  	_ = 	snop  }
0x8f: {  	[tilespmem:s10], [sflag:$0x4] =	stream.indirect.gather [hbm4b:s19+s1], $0x80, s9, s1, $0xb8;
	[tilespmem:$0x1CB00] =	vst v63  }
0x90: {  	_ =	swait.ge [sflag:s11], $0x2000  }
0x91: {  	[sflag:s11] =	ssyncset.done $0x0  }
0x92: {  	[sflag:s11] =	ssyncadd.s32 $0xFFFFE000  }
0x93: {  	_ =	swait.ge [sflag:s12], $0x2000  }
0x94: {  	[sflag:s12] =	ssyncset.done $0x0  }
0x95: {  	[sflag:s12] =	ssyncadd.s32 $0xFFFFE000  }
0x96: {  	[spmem:s20] =	stream.indirect.scatter.add.f32 [tilespmem:s30], [sflag:$0x7], $0x80, s18, s4, $0xb8;
	[tilespmem:$0x1CB00] =	vst v63  }
0x97: {  	_ =	swait.ge [sflag:s31], $0x4000  }
0x98: {  	s17 =	sadd.s32 s5, s21;
	[sflag:s31] =	ssyncset.done $0x0  }
0x99: {  	s5 =	sadd.s32 s5, s22;
	s16 =	sadd.s32 $0x20, s17;
	[sflag:s31] =	ssyncadd.s32 $0xFFFFC000  }
0x9a: {  	[tilespmem:s0], [sflag:$0x5] =	stream.linear.gather [hbm4b:s16+s0], $0x80, $0x38;
	[tilespmem:$0x1CB00] =	vst v63  }
0x9b: {  	s16 =	sadd.s32 $0x20, s5  }
0x9c: {  	[tilespmem:s18], [sflag:$0x5] =	stream.linear.gather [hbm4b:s16+s0], $0x80, $0x38;
	[tilespmem:$0x1CB00] =	vst v63  }
0x9d: {  	_ =	swait.ge [sflag:s7], $0x80  }
0x9e: {  	[sflag:s7] =	ssyncset.done $0x0  }
0x9f: {  	[sflag:s7] =	ssyncadd.s32 $0xFFFFFF80  }
0xa0: {  	_ =	swait.ge [sflag:s7], $0x80  }
0xa1: {  	[sflag:s7] =	ssyncset.done $0x0  }
0xa2: {  	[sflag:s7] =	ssyncadd.s32 $0xFFFFFF80  }
0xa3: {  	[tilespmem:s30], [sflag:$0x1] =	stream.indirect.gather [hbm4b:s19+s1], $0x80, s0, s1, $0xb8;
	[tilespmem:$0x1CB00] =	vst v63  }
0xa4: {  	_ = 	snop  }
0xa5: {  	[tilespmem:s2], [sflag:$0x2] =	stream.indirect.gather [hbm4b:s19+s1], $0x80, s1, s1, $0xb8;
	[tilespmem:$0x1CB00] =	vst v63  }
0xa6: {  	_ =	swait.ge [sflag:s13], $0x2000  }
0xa7: {  	[sflag:s13] =	ssyncset.done $0x0  }
0xa8: {  	[sflag:s13] =	ssyncadd.s32 $0xFFFFE000  }
0xa9: {  	_ =	swait.ge [sflag:s14], $0x2000  }
0xaa: {  	[sflag:s14] =	ssyncset.done $0x0  }
0xab: {  	[sflag:s14] =	ssyncadd.s32 $0xFFFFE000  }
0xac: {  	[spmem:s20] =	stream.indirect.scatter.add.f32 [tilespmem:s8], [sflag:$0x7], $0x80, s6, s4, $0xb8;
	[tilespmem:$0x1CB00] =	vst v63  }
.Ltmp1:
0xad: {  	_ =	swait.ge [sflag:s31], $0x4000;
	(pc) =	sbr.rel @p0 .LBB2_4-.Ltmp1, $4  }
0xae: {  	[sflag:s31] =	ssyncset.done $0x0  }
0xaf: {  	s16 =	sadd.s32 $0x30, s17;
	[sflag:s31] =	ssyncadd.s32 $0xFFFFC000  }
0xb0: {  	[tilespmem:s4], [sflag:$0x5] =	stream.linear.gather [hbm4b:s16+s0], $0x80, $0x38;
	[tilespmem:$0x1CB00] =	vst v63  }
0xb1: {  	s5 =	sadd.s32 $0x30, s5  }
0xb2: {  	[tilespmem:s6], [sflag:$0x5] =	stream.linear.gather [hbm4b:s5+s0], $0x80, $0x38;
	[tilespmem:$0x1CB00] =	vst v63  }
0xb3: {  	s3 =	simm.s32 $0x0;
	s17 =	rddreg [dreg:$0x13];
	s16 =	simm.s32 $0x8200  }
0xb4: {  	[tilespmem:s16], [sflag:$0x6] =	stream.linear.gather [hbm4b:s17+s3], $0x10, $0x38;
	[tilespmem:$0x1CB00] =	vst v63  }
0xb5: {  	s23 =	rddreg [dreg:$0x14];
	s17 =	simm.s32 $0x8280  }
0xb6: {  	[tilespmem:s17], [sflag:$0x6] =	stream.linear.gather [hbm4b:s23+s3], $0x10, $0x38;
	[tilespmem:$0x1CB00] =	vst v63  }
0xb7: {  	_ =	swait.ge [sflag:s7], $0x80  }
0xb8: {  	[sflag:s7] =	ssyncset.done $0x0  }
0xb9: {  	[sflag:s7] =	ssyncadd.s32 $0xFFFFFF80  }
0xba: {  	_ =	swait.ge [sflag:s7], $0x80  }
0xbb: {  	[sflag:s7] =	ssyncset.done $0x0  }
0xbc: {  	[sflag:s7] =	ssyncadd.s32 $0xFFFFFF80  }
0xbd: {  	[tilespmem:s8], [sflag:$0x3] =	stream.indirect.gather [hbm4b:s19+s1], $0x80, s4, s1, $0xb8;
	[tilespmem:$0x1CB00] =	vst v63  }
0xbe: {  	_ = 	snop  }
0xbf: {  	[tilespmem:s10], [sflag:$0x4] =	stream.indirect.gather [hbm4b:s19+s1], $0x80, s9, s1, $0xb8;
	[tilespmem:$0x1CB00] =	vst v63  }
0xc0: {  	_ =	swait.ge [sflag:s11], $0x2000  }
0xc1: {  	[sflag:s11] =	ssyncset.done $0x0  }
0xc2: {  	[sflag:s11] =	ssyncadd.s32 $0xFFFFE000  }
0xc3: {  	_ =	swait.ge [sflag:s12], $0x2000  }
0xc4: {  	[sflag:s12] =	ssyncset.done $0x0  }
0xc5: {  	[sflag:s12] =	ssyncadd.s32 $0xFFFFE000  }
0xc6: {  	[spmem:s20] =	stream.indirect.scatter.add.f32 [tilespmem:s30], [sflag:$0x7], $0x80, s18, s4, $0xb8;
	[tilespmem:$0x1CB00] =	vst v63  }
0xc7: {  	_ =	swait.ge [sflag:s31], $0x4000  }
0xc8: {  	[sflag:s31] =	ssyncset.done $0x0  }
0xc9: {  	[sflag:s31] =	ssyncadd.s32 $0xFFFFC000  }
0xca: {  	_ =	swait.ge [sflag:s13], $0x2000  }
0xcb: {  	[sflag:s13] =	ssyncset.done $0x0  }
0xcc: {  	[sflag:s13] =	ssyncadd.s32 $0xFFFFE000  }
0xcd: {  	_ =	swait.ge [sflag:s14], $0x2000  }
0xce: {  	[sflag:s14] =	ssyncset.done $0x0  }
0xcf: {  	[sflag:s14] =	ssyncadd.s32 $0xFFFFE000  }
0xd0: {  	[spmem:s20] =	stream.indirect.scatter.add.f32 [tilespmem:s8], [sflag:$0x7], $0x80, s6, s4, $0xb8;
	[tilespmem:$0x1CB00] =	vst v63  }
0xd1: {  	_ =	swait.ge [sflag:s31], $0x4000  }
0xd2: {  	[sflag:s31] =	ssyncset.done $0x0  }
0xd3: {  	[sflag:s31] =	ssyncadd.s32 $0xFFFFC000  }
0xd4: {  	_ =	swait.ge [sflag:s29], $0x10  }
0xd5: {  	[sflag:s29] =	ssyncset.done $0x0  }
0xd6: {  	[sflag:s29] =	ssyncadd.s32 $0xFFFFFFF0  }
0xd7: {  	_ =	swait.ge [sflag:s29], $0x10  }
0xd8: {  	[sflag:s29] =	ssyncset.done $0x0  }
0xd9: {  	s5 =	simm.s32 $0x10;
	s23 =	simm.s32 $0x8300;
	[sflag:s29] =	ssyncadd.s32 $0xFFFFFFF0  }
0xda: {  	[tilespmem:s23], [sflag:$0x1] =	stream.indirect.gather [hbm4b:s19+s5], $0x80, s16, s5, $0xb8;
	[tilespmem:$0x1CB00] =	vst v63  }
0xdb: {  	_ =	swait.ge [sflag:s11], $0x800  }
0xdc: {  	[sflag:s11] =	ssyncset.done $0x0  }
0xdd: {  	[sflag:s11] =	ssyncadd.s32 $0xFFFFF800  }
0xde: {  	[spmem:s20] =	stream.indirect.scatter.add.f32 [tilespmem:s23], [sflag:$0x7], $0x80, s17, s5, $0xb8;
	[tilespmem:$0x1CB00] =	vst v63  }
0xdf: {  	_ =	swait.ge [sflag:s31], $0x800  }
0xe0: {  	[sflag:s31] =	ssyncset.done $0x0  }
0xe1: {  	s16 =	rddreg [dreg:$0x6];
	[sflag:s31] =	ssyncadd.s32 $0xFFFFF800  }
0xe2: {  	[tilespmem:s18], [sflag:$0x5] =	stream.linear.gather [hbm4b:s16+s3], $0x80, $0x38;
	[tilespmem:$0x1CB00] =	vst v63  }
0xe3: {  	s23 =	rddreg [dreg:$0x8]  }
0xe4: {  	[tilespmem:s6], [sflag:$0x5] =	stream.linear.gather [hbm4b:s23+s3], $0x80, $0x38;
	[tilespmem:$0x1CB00] =	vst v63  }
0xe5: {  	[bflag:$0x0] =	sbarrier.arrive $0xFFFF  }
0xe6: {  	[tilespmem:s30], [sflag:$0x7] =	stream.linear.gather [spmem:s24], $0x4000, $0x38;
	[tilespmem:$0x1CB00] =	vst v63  }
0xe7: {  	_ =	swait.ge [sflag:s31], $0x4000  }
0xe8: {  	[sflag:s31] =	ssyncset.done $0x0  }
0xe9: {  	s16 =	rddreg [dreg:$0x9];
	[sflag:s31] =	ssyncadd.s32 $0xFFFFC000  }
0xea: {  	[hbm4b:s16+s3] =	stream.linear.scatter [tilespmem:s30], [sflag:$0x1], $0x4000, $0x38;
	[tilespmem:$0x1CB00] =	vst v63  }
0xeb: {  	s23 =	smov.u32 s24;
	s24 =	rddreg [dreg:$0x16]  }
0xec: {  	[tilespmem:s8], [sflag:$0x7] =	stream.linear.gather [spmem:s24], $0x4000, $0x38;
	[tilespmem:$0x1CB00] =	vst v63  }
0xed: {  	_ =	swait.ge [sflag:s31], $0x4000  }
0xee: {  	[sflag:s31] =	ssyncset.done $0x0  }
0xef: {  	s16 =	rddreg [dreg:$0xa];
	[sflag:s31] =	ssyncadd.s32 $0xFFFFC000  }
0xf0: {  	[hbm4b:s16+s3] =	stream.linear.scatter [tilespmem:s8], [sflag:$0x3], $0x4000, $0x38;
	[tilespmem:$0x1CB00] =	vst v63  }
0xf1: {  	_ =	swait.ge [sflag:s11], $0x4000  }
0xf2: {  	[sflag:s11] =	ssyncset.done $0x0  }
0xf3: {  	[sflag:s11] =	ssyncadd.s32 $0xFFFFC000  }
0xf4: {  	[tilespmem:s30], [sflag:$0x7] =	stream.linear.gather [spmem:s25], $0x4000, $0x38;
	[tilespmem:$0x1CB00] =	vst v63  }
0xf5: {  	_ =	swait.ge [sflag:s31], $0x4000  }
0xf6: {  	[sflag:s31] =	ssyncset.done $0x0  }
0xf7: {  	s24 =	rddreg [dreg:$0xb];
	[sflag:s31] =	ssyncadd.s32 $0xFFFFC000  }
0xf8: {  	[hbm4b:s24+s3] =	stream.linear.scatter [tilespmem:s30], [sflag:$0x1], $0x4000, $0x38;
	[tilespmem:$0x1CB00] =	vst v63  }
0xf9: {  	_ =	swait.ge [sflag:s13], $0x4000  }
0xfa: {  	[sflag:s13] =	ssyncset.done $0x0  }
0xfb: {  	[sflag:s13] =	ssyncadd.s32 $0xFFFFC000  }
0xfc: {  	[tilespmem:s8], [sflag:$0x7] =	stream.linear.gather [spmem:s26], $0x4000, $0x38;
	[tilespmem:$0x1CB00] =	vst v63  }
0xfd: {  	_ =	swait.ge [sflag:s31], $0x4000  }
0xfe: {  	[sflag:s31] =	ssyncset.done $0x0  }
0xff: {  	s16 =	rddreg [dreg:$0xc];
	[sflag:s31] =	ssyncadd.s32 $0xFFFFC000  }
0x100: {  	[hbm4b:s16+s3] =	stream.linear.scatter [tilespmem:s8], [sflag:$0x3], $0x4000, $0x38;
	[tilespmem:$0x1CB00] =	vst v63  }
0x101: {  	_ =	swait.ge [sflag:s11], $0x4000  }
0x102: {  	[sflag:s11] =	ssyncset.done $0x0  }
0x103: {  	[sflag:s11] =	ssyncadd.s32 $0xFFFFC000  }
0x104: {  	[tilespmem:s30], [sflag:$0x7] =	stream.linear.gather [spmem:s28], $0x4000, $0x38;
	[tilespmem:$0x1CB00] =	vst v63  }
0x105: {  	_ =	swait.ge [sflag:s31], $0x4000  }
0x106: {  	[sflag:s31] =	ssyncset.done $0x0  }
0x107: {  	s24 =	rddreg [dreg:$0xd];
	[sflag:s31] =	ssyncadd.s32 $0xFFFFC000  }
0x108: {  	[hbm4b:s24+s3] =	stream.linear.scatter [tilespmem:s30], [sflag:$0x1], $0x4000, $0x38;
	[tilespmem:$0x1CB00] =	vst v63  }
0x109: {  	_ =	swait.ge [sflag:s13], $0x4000  }
0x10a: {  	[sflag:s13] =	ssyncset.done $0x0  }
0x10b: {  	[sflag:s13] =	ssyncadd.s32 $0xFFFFC000  }
0x10c: {  	_ =	swait.ge [sflag:s11], $0x4000  }
0x10d: {  	[sflag:s11] =	ssyncset.done $0x0  }
0x10e: {  	s5 =	simm.s32 $0x200;
	s3 =	simm.s32 $0x0;
	[sflag:s11] =	ssyncadd.s32 $0xFFFFC000  }
.LBB2_6:
0x10f: {  	p0 =	sne.s32 s5, $0xFE00;
	[tilespmem:s3+$0x4270] =	vst v1  }
0x110: {  	[tilespmem:s3+$0x4200] =	vst v1  }
0x111: {  	[tilespmem:s3+$0x4210] =	vst v1  }
.Ltmp2:
0x112: {  	[tilespmem:s3+$0x4220] =	vst v1;
	(pc) =	sbr.rel @p0 .LBB2_6-.Ltmp2, $4  }
0x113: {  	[tilespmem:s3+$0x4230] =	vst v1  }
0x114: {  	[tilespmem:s3+$0x4240] =	vst v1  }
0x115: {  	[tilespmem:s3+$0x4250] =	vst v1  }
0x116: {  	[tilespmem:s3+$0x4260] =	vst v1;
	s3 =	sshra.s32 s5, $0x2;
	s5 =	sadd.s32 $0x200, s5  }
0x117: {  	[tilespmem:s3+$0x4270] =	vst v1  }
0x118: {  	[tilespmem:s3+$0x4200] =	vst v1  }
0x119: {  	[tilespmem:s3+$0x4210] =	vst v1  }
0x11a: {  	[tilespmem:s3+$0x4220] =	vst v1  }
0x11b: {  	[tilespmem:s3+$0x4230] =	vst v1  }
0x11c: {  	[tilespmem:s3+$0x4240] =	vst v1  }
0x11d: {  	[tilespmem:s3+$0x4250] =	vst v1  }
0x11e: {  	[tilespmem:s3+$0x4260] =	vst v1  }
0x11f: {  	[bflag:$0x0] =	sbarrier.arrive $0xFFFF  }
0x120: {  	_ =	swait.ge [sflag:s7], $0x80  }
0x121: {  	[sflag:s7] =	ssyncset.done $0x0  }
0x122: {  	[sflag:s7] =	ssyncadd.s32 $0xFFFFFF80  }
0x123: {  	_ =	swait.ge [sflag:s7], $0x80  }
0x124: {  	[sflag:s7] =	ssyncset.done $0x0  }
0x125: {  	[sflag:s7] =	ssyncadd.s32 $0xFFFFFF80  }
0x126: {  	[spmem:s20] =	stream.indirect.scatter.add.f32 [tilespmem:s8], [sflag:$0x7], $0x80, s18, s4, $0xb8;
	[tilespmem:$0x1CB00] =	vst v63  }
0x127: {  	_ =	swait.ge [sflag:s31], $0x4000  }
0x128: {  	s5 =	sadd.s32 $0xFFFFFB40, s22;
	[sflag:s31] =	ssyncset.done $0x0  }
0x129: {  	s24 =	sadd.s32 $0x4E0, s5;
	[sflag:s31] =	ssyncadd.s32 $0xFFFFC000  }
0x12a: {  	[tilespmem:s18], [sflag:$0x5] =	stream.linear.gather [hbm4b:s24+s0], $0x80, $0x38;
	[tilespmem:$0x1CB00] =	vst v63  }
0x12b: {  	_ =	swait.ge [sflag:s7], $0x80  }
0x12c: {  	[sflag:s7] =	ssyncset.done $0x0  }
0x12d: {  	[sflag:s7] =	ssyncadd.s32 $0xFFFFFF80  }
0x12e: {  	[spmem:s20] =	stream.indirect.scatter.add.f32 [tilespmem:s8], [sflag:$0x7], $0x80, s6, s4, $0xb8;
	[tilespmem:$0x1CB00] =	vst v63  }
0x12f: {  	_ =	swait.ge [sflag:s31], $0x4000  }
0x130: {  	[sflag:s31] =	ssyncset.done $0x0  }
0x131: {  	s3 =	simm.s32 $0xFFFFFB60;
	s5 =	sadd.s32 $0x4F0, s5;
	[sflag:s31] =	ssyncadd.s32 $0xFFFFC000  }
.LBB2_8:
0x132: {  	[tilespmem:s6], [sflag:$0x5] =	stream.linear.gather [hbm4b:s5+s0], $0x80, $0x38;
	[tilespmem:$0x1CB00] =	vst v63  }
0x133: {  	s5 =	smov.u32 s3  }
0x134: {  	p0 =	sne.s32 s3, $0xFFFFFFE0;
	s3 =	sadd.s32 $0x20, s3;
	_ =	swait.ge [sflag:s7], $0x80  }
0x135: {  	[sflag:s7] =	ssyncset.done $0x0  }
0x136: {  	[sflag:s7] =	ssyncadd.s32 $0xFFFFFF80  }
0x137: {  	[spmem:s20] =	stream.indirect.scatter.add.f32 [tilespmem:s8], [sflag:$0x7], $0x80, s18, s4, $0xb8;
	[tilespmem:$0x1CB00] =	vst v63  }
0x138: {  	_ =	swait.ge [sflag:s31], $0x4000  }
0x139: {  	s5 =	sadd.s32 s5, s22;
	[sflag:s31] =	ssyncset.done $0x0  }
0x13a: {  	s16 =	sadd.s32 $0x4E0, s5;
	[sflag:s31] =	ssyncadd.s32 $0xFFFFC000  }
0x13b: {  	[tilespmem:s18], [sflag:$0x5] =	stream.linear.gather [hbm4b:s16+s0], $0x80, $0x38;
	[tilespmem:$0x1CB00] =	vst v63  }
0x13c: {  	_ =	swait.ge [sflag:s7], $0x80  }
0x13d: {  	[sflag:s7] =	ssyncset.done $0x0  }
.Ltmp3:
0x13e: {  	[sflag:s7] =	ssyncadd.s32 $0xFFFFFF80;
	(pc) =	sbr.rel @p0 .LBB2_8-.Ltmp3, $4  }
0x13f: {  	[spmem:s20] =	stream.indirect.scatter.add.f32 [tilespmem:s8], [sflag:$0x7], $0x80, s6, s4, $0xb8;
	[tilespmem:$0x1CB00] =	vst v63  }
0x140: {  	_ =	swait.ge [sflag:s31], $0x4000  }
0x141: {  	[sflag:s31] =	ssyncset.done $0x0  }
0x142: {  	s5 =	sadd.s32 $0x4F0, s5;
	[sflag:s31] =	ssyncadd.s32 $0xFFFFC000  }
0x143: {  	[tilespmem:s6], [sflag:$0x5] =	stream.linear.gather [hbm4b:s5+s0], $0x80, $0x38;
	[tilespmem:$0x1CB00] =	vst v63  }
0x144: {  	_ =	swait.ge [sflag:s7], $0x80  }
0x145: {  	[sflag:s7] =	ssyncset.done $0x0  }
0x146: {  	[sflag:s7] =	ssyncadd.s32 $0xFFFFFF80  }
0x147: {  	[spmem:s20] =	stream.indirect.scatter.add.f32 [tilespmem:s8], [sflag:$0x7], $0x80, s18, s4, $0xb8;
	[tilespmem:$0x1CB00] =	vst v63  }
0x148: {  	_ =	swait.ge [sflag:s31], $0x4000  }
0x149: {  	[sflag:s31] =	ssyncset.done $0x0  }
0x14a: {  	[sflag:s31] =	ssyncadd.s32 $0xFFFFC000  }
0x14b: {  	[spmem:s20] =	stream.indirect.scatter.add.f32 [tilespmem:s8], [sflag:$0x7], $0x80, s6, s4, $0xb8;
	[tilespmem:$0x1CB00] =	vst v63  }
0x14c: {  	_ =	swait.ge [sflag:s31], $0x4000  }
0x14d: {  	[sflag:s31] =	ssyncset.done $0x0  }
0x14e: {  	s3 =	simm.s32 $0x0;
	s24 =	rddreg [dreg:$0x14];
	[sflag:s31] =	ssyncadd.s32 $0xFFFFC000  }
0x14f: {  	[tilespmem:s17], [sflag:$0x7] =	stream.linear.gather [hbm4b:s24+s3], $0x10, $0x38;
	[tilespmem:$0x1CB00] =	vst v63  }
0x150: {  	_ =	swait.ge [sflag:s31], $0x10  }
0x151: {  	[sflag:s31] =	ssyncset.done $0x0  }
0x152: {  	s5 =	simm.s32 $0x200;
	s3 =	simm.s32 $0x0;
	[sflag:s31] =	ssyncadd.s32 $0xFFFFFFF0  }
.LBB2_10:
0x153: {  	p0 =	sne.s32 s5, $0x1E00;
	[tilespmem:s3+$0x8370] =	vst v1  }
0x154: {  	[tilespmem:s3+$0x8300] =	vst v1  }
0x155: {  	[tilespmem:s3+$0x8310] =	vst v1  }
.Ltmp4:
0x156: {  	[tilespmem:s3+$0x8320] =	vst v1;
	(pc) =	sbr.rel @p0 .LBB2_10-.Ltmp4, $4  }
0x157: {  	[tilespmem:s3+$0x8330] =	vst v1  }
0x158: {  	[tilespmem:s3+$0x8340] =	vst v1  }
0x159: {  	[tilespmem:s3+$0x8350] =	vst v1  }
0x15a: {  	[tilespmem:s3+$0x8360] =	vst v1;
	s3 =	sshra.s32 s5, $0x2;
	s5 =	sadd.s32 $0x200, s5  }
0x15b: {  	[tilespmem:s3+$0x8370] =	vst v1  }
0x15c: {  	[tilespmem:s3+$0x8300] =	vst v1  }
0x15d: {  	[tilespmem:s3+$0x8310] =	vst v1  }
0x15e: {  	[tilespmem:s3+$0x8320] =	vst v1  }
0x15f: {  	[tilespmem:s3+$0x8330] =	vst v1  }
0x160: {  	[tilespmem:s3+$0x8340] =	vst v1  }
0x161: {  	[tilespmem:s3+$0x8350] =	vst v1  }
0x162: {  	[tilespmem:s3+$0x8360] =	vst v1;
	s24 =	simm.s32 $0x10;
	s5 =	simm.s32 $0x8300  }
0x163: {  	[spmem:s20] =	stream.indirect.scatter.add.f32 [tilespmem:s5], [sflag:$0x7], $0x80, s17, s24, $0xb8;
	[tilespmem:$0x1CB00] =	vst v63  }
0x164: {  	_ =	swait.ge [sflag:s31], $0x800  }
0x165: {  	[sflag:s31] =	ssyncset.done $0x0  }
0x166: {  	[sflag:s31] =	ssyncadd.s32 $0xFFFFF800  }
0x167: {  	[bflag:$0x0] =	sbarrier.arrive $0xFFFF  }
0x168: {  	[tilespmem:s30], [sflag:$0x7] =	stream.linear.gather [spmem:s23], $0x4000, $0x38;
	[tilespmem:$0x1CB00] =	vst v63  }
0x169: {  	_ =	swait.ge [sflag:s31], $0x4000  }
0x16a: {  	[sflag:s31] =	ssyncset.done $0x0  }
0x16b: {  	s16 =	rddreg [dreg:$0xe];
	[sflag:s31] =	ssyncadd.s32 $0xFFFFC000  }
0x16c: {  	[hbm4b:s16+s0] =	stream.linear.scatter [tilespmem:s30], [sflag:$0x1], $0x4000, $0x38;
	[tilespmem:$0x1CB00] =	vst v63  }
0x16d: {  	s17 =	rddreg [dreg:$0x16]  }
0x16e: {  	[tilespmem:s8], [sflag:$0x7] =	stream.linear.gather [spmem:s17], $0x4000, $0x38;
	[tilespmem:$0x1CB00] =	vst v63  }
0x16f: {  	_ =	swait.ge [sflag:s31], $0x4000  }
0x170: {  	[sflag:s31] =	ssyncset.done $0x0  }
0x171: {  	s24 =	rddreg [dreg:$0xf];
	[sflag:s31] =	ssyncadd.s32 $0xFFFFC000  }
0x172: {  	[hbm4b:s24+s0] =	stream.linear.scatter [tilespmem:s8], [sflag:$0x3], $0x4000, $0x38;
	[tilespmem:$0x1CB00] =	vst v63  }
0x173: {  	_ =	swait.ge [sflag:s11], $0x4000  }
0x174: {  	[sflag:s11] =	ssyncset.done $0x0  }
0x175: {  	[sflag:s11] =	ssyncadd.s32 $0xFFFFC000  }
0x176: {  	[tilespmem:s30], [sflag:$0x7] =	stream.linear.gather [spmem:s25], $0x4000, $0x38;
	[tilespmem:$0x1CB00] =	vst v63  }
0x177: {  	_ =	swait.ge [sflag:s31], $0x4000  }
0x178: {  	[sflag:s31] =	ssyncset.done $0x0  }
0x179: {  	s5 =	rddreg [dreg:$0x10];
	[sflag:s31] =	ssyncadd.s32 $0xFFFFC000  }
0x17a: {  	[hbm4b:s5+s0] =	stream.linear.scatter [tilespmem:s30], [sflag:$0x1], $0x4000, $0x38;
	[tilespmem:$0x1CB00] =	vst v63  }
0x17b: {  	_ =	swait.ge [sflag:s13], $0x4000  }
0x17c: {  	[sflag:s13] =	ssyncset.done $0x0  }
0x17d: {  	[sflag:s13] =	ssyncadd.s32 $0xFFFFC000  }
0x17e: {  	[tilespmem:s8], [sflag:$0x7] =	stream.linear.gather [spmem:s26], $0x4000, $0x38;
	[tilespmem:$0x1CB00] =	vst v63  }
0x17f: {  	_ =	swait.ge [sflag:s31], $0x4000  }
0x180: {  	[sflag:s31] =	ssyncset.done $0x0  }
0x181: {  	s16 =	rddreg [dreg:$0x11];
	[sflag:s31] =	ssyncadd.s32 $0xFFFFC000  }
0x182: {  	[hbm4b:s16+s0] =	stream.linear.scatter [tilespmem:s8], [sflag:$0x3], $0x4000, $0x38;
	[tilespmem:$0x1CB00] =	vst v63  }
0x183: {  	_ =	swait.ge [sflag:s11], $0x4000  }
0x184: {  	[sflag:s11] =	ssyncset.done $0x0  }
0x185: {  	[sflag:s11] =	ssyncadd.s32 $0xFFFFC000  }
0x186: {  	[tilespmem:s30], [sflag:$0x7] =	stream.linear.gather [spmem:s28], $0x4000, $0x38;
	[tilespmem:$0x1CB00] =	vst v63  }
0x187: {  	_ =	swait.ge [sflag:s31], $0x4000  }
0x188: {  	[sflag:s31] =	ssyncset.done $0x0  }
0x189: {  	s17 =	rddreg [dreg:$0x12];
	[sflag:s31] =	ssyncadd.s32 $0xFFFFC000  }
0x18a: {  	[hbm4b:s17+s0] =	stream.linear.scatter [tilespmem:s30], [sflag:$0x1], $0x4000, $0x38;
	[tilespmem:$0x1CB00] =	vst v63  }
0x18b: {  	_ =	swait.ge [sflag:s13], $0x4000  }
0x18c: {  	[sflag:s13] =	ssyncset.done $0x0  }
0x18d: {  	[sflag:s13] =	ssyncadd.s32 $0xFFFFC000  }
0x18e: {  	_ =	swait.ge [sflag:s11], $0x4000  }
0x18f: {  	s15 =	sadd.s32 $0x1, s15;
	s24 =	rddreg [dreg:$0x15]  }
0x190: {  	p0 =	sne.s32 s15, s24  }
.Ltmp5:
0x191: {  	_ = 	snop;
	(pc) =	sbr.rel @p0 .LBB2_1-.Ltmp5, $3  }
0x192: {  	_ =	sdelay $0x1  }
0x193: {  	[sflag:s11] =	ssyncset.done $0x0  }
0x194: {  	[sflag:s11] =	ssyncadd.s32 $0xFFFFC000  }
0x195: {  	_ =	sfence.sel $0x180000  }
0x196: {  	[bflag:$0x0] =	sbarrier.arrive $0xFFFF  }
0x197: {  	_ =	strace $0x90000047  }
0x198: {  	s0 =	stileid.u32;
	[bflag:$0x2] =	sbarrier.arrive $0xFFFF  }
0x199: {  	p0 =	sne.s32 s0, $0x0;
	s0 =	rddreg [dreg:$0x4]  }
0x19a: {  	s0 =	sadd.s32 @!p0 $0x100000, s0  }
0x19b: {  	[sflag:s0] =	ssyncadd.tile.s32 @!p0 $0x1;
	_ =	shalt  }
.Lfunc_end2:
_tile_overlayer_lowered:
.L_overlay_start_2:
0x19c: {  	(tag) =	ssettag $0x2  }
0x19d: {  	s0 =	rddreg [dreg:$0x0];
	s2 =	stileid.u32  }
0x19e: {  	s1 =	rddreg [dreg:$0x1];
	p0 =	sne.s32 s2, $0x0  }
0x19f: {  	s3 =	rddreg [dreg:$0x2];
	[bflag:$0x3] =	sbarrier.arrive $0xFFFF;
	s2 =	simm.s32 @!p0 $0x1C07  }
0x1a0: {  	[timem:s3], [sflag:s2] =	dma.local @!p0 [hbm:s0], s1  }
0x1a1: {  	s0 =	simm.s32 @!p0 $0x7  }
0x1a2: {  	_ =	swait.ge @!p0 [sflag:s0], s1  }
0x1a3: {  	s1 =	ssub.s32 @!p0 $0x0, s1;
	[sflag:s0] =	ssyncset.done @!p0 $0x0  }
0x1a4: {  	[sflag:s0] =	ssyncadd.s32 @!p0 s1  }
0x1a5: {  	[bflag:$0x3] =	sbarrier.arrive $0xFFFF  }
0x1a6: {  	_ =	shalt  }

</sc_bundles>
